<compile_context>
chip_gen: v7x
topology: tpu7x:2x2x1
jax: 0.10.2.dev20260603
libtpu: 0.0.44.dev20260713+nightly
codegen_flags: <defaults>
</compile_context>

<pallas_src>
import functools

import jax
import jax.numpy as jnp
from jax import lax
from jax.experimental import pallas as pl
from jax.experimental.pallas import tpu as pltpu
from jax.experimental.pallas import tpu_sc as plsc

N = 65536
D = 32
K = 512
BZ = 2048
NB = N // BZ

NC, NS = 2, 16
NW = NC * NS
BPW = N // NW
CHUNK = 128
NCH = BPW // CHUNK


def _vq_tc_body(z_ref, w_ref, idx_ref, loss_ref):
    i = pl.program_id(0)
    z = z_ref[...]
    w = w_ref[...]
    zn = jnp.sum(z * z, axis=1, keepdims=True)
    wn = jnp.sum(w * w, axis=1)
    mm = lax.dot_general(-2.0 * z, w, (((1,), (1,)), ((), ())),
                         preferred_element_type=jnp.float32)
    d = (zn + wn[None, :]) + mm
    mind = jnp.min(d, axis=1)
    ids = lax.broadcasted_iota(jnp.int32, d.shape, 1).astype(jnp.float32)
    idx_f = jnp.min(jnp.where(d == mind[:, None], ids, jnp.float32(K)), axis=1)
    idx = idx_f.astype(jnp.int32)
    idx_ref[0, :, :] = idx.reshape(BZ // CHUNK, CHUNK)

    @pl.when(i == 0)
    def _():
        loss_ref[0, 0] = 0.0

    total = loss_ref[0, 0] + jnp.sum(mind)
    loss_ref[0, 0] = total

    @pl.when(i == NB - 1)
    def _():
        loss_ref[0, 0] = total * (1.25 / (N * D))


def _tc_argmin(z, W):
    return pl.pallas_call(
        _vq_tc_body,
        grid=(NB,),
        in_specs=[
            pl.BlockSpec((BZ, D), lambda i: (i, 0)),
            pl.BlockSpec((K, D), lambda i: (0, 0)),
        ],
        out_specs=[
            pl.BlockSpec((1, BZ // CHUNK, CHUNK), lambda i: (i, 0, 0)),
            pl.BlockSpec(block_shape=(1, 1), index_map=lambda i: (0, 0),
                         memory_space=pltpu.SMEM),
        ],
        out_shape=[
            jax.ShapeDtypeStruct((NB, BZ // CHUNK, CHUNK), jnp.int32),
            jax.ShapeDtypeStruct((1, 1), jnp.float32),
        ],
    )(z, W)


def _sc_gather_body(table_hbm, idx_hbm, out_hbm, idxout_hbm, idx_v, rows_v,
                    sem):
    wid = lax.axis_index("s") * NC + lax.axis_index("c")
    pltpu.sync_copy(idx_hbm.at[wid], idx_v)
    copies = [
        pltpu.async_copy(table_hbm.at[idx_v.at[j]],
                         rows_v.at[pl.ds(j * CHUNK, CHUNK)], sem)
        for j in range(NCH)
    ]
    for j in range(NCH):
        pltpu.sync_copy(idx_v.at[j],
                        idxout_hbm.at[pl.ds(wid * BPW + j * CHUNK, CHUNK)])
    for c in copies:
        c.wait()
    pltpu.sync_copy(rows_v, out_hbm.at[pl.ds(wid * BPW, BPW)])


@functools.cache
def _sc_gather():
    return pl.kernel(
        _sc_gather_body,
        out_type=[jax.ShapeDtypeStruct((N, D), jnp.float32),
                  jax.ShapeDtypeStruct((N,), jnp.int32)],
        mesh=plsc.VectorSubcoreMesh(core_axis_name="c", subcore_axis_name="s"),
        scratch_types=[
            pltpu.VMEM((NCH, CHUNK), jnp.int32),
            pltpu.VMEM((BPW, D), jnp.float32),
            pltpu.SemaphoreType.DMA,
        ],
        compiler_params=pltpu.CompilerParams(use_tc_tiling_on_sc=False),
    )


def kernel(z, W):
    idx3, loss = _tc_argmin(z, W)
    quantized, idx_flat = _sc_gather()(W, idx3)
    return quantized, loss[0, 0], idx_flat


assert (NB, BZ // CHUNK, CHUNK) == (NW, NCH, CHUNK)

# --- scband reference (transcript-rebuilt; emitter-appended) ---
"""Pipeline reference for scband-vector-quantizer-49873160241296 (READ-ONLY COPY).

The authoritative reference and input builder live on the scoring server;
editing this copy changes nothing except your own understanding.
"""

import jax, jax.numpy as jnp
import numpy as np


def setup_inputs(seed: int = 0) -> dict:
    key = jax.random.key(seed)
    k1, k2 = jax.random.split(key)
    z = jax.random.normal(k1, (65536, 32), dtype=jnp.float32)
    num_embeddings = 512
    embedding_dim = 32
    W = jax.random.uniform(k2, (num_embeddings, embedding_dim), dtype=jnp.float32,
                           minval=-1.0 / num_embeddings, maxval=1.0 / num_embeddings)
    return {"z": z, "W": W}


def reference(z, W):
    # distances[i, j] = ||z_i||^2 + ||W_j||^2 - 2 z_i . W_j
    distances = (jnp.sum(z ** 2, axis=1, keepdims=True)
                 + jnp.sum(W ** 2, axis=1)
                 - 2.0 * jnp.matmul(z, W.T))
    encoding_indices = jnp.argmin(distances, axis=1)
    quantized = jnp.take(W, encoding_indices, axis=0)
    # straight-through estimator
    quantized_st = z + jax.lax.stop_gradient(quantized - z)
    e_latent_loss = jnp.mean((jax.lax.stop_gradient(quantized_st) - z) ** 2)
    q_latent_loss = jnp.mean((quantized_st - jax.lax.stop_gradient(z)) ** 2)
    loss = q_latent_loss + 0.25 * e_latent_loss
    return (quantized_st, loss, encoding_indices)

if __name__ == "__main__":
    import jax
    _d = setup_inputs()
    print(jax.jit(kernel)(*tuple(_d.values())))

</pallas_src>

<mosaic_0001>
#map = affine_map<(d0, d1) -> (0, 0)>
#map1 = affine_map<(d0, d1) -> (0, 0, 0)>
#map2 = affine_map<(d0, d1) -> (0)>
module attributes {stable_mosaic.version = 14 : i64} {
  func.func @_sc_gather_body(%arg0: i32, %arg1: i32, %arg2: memref<512x32xf32, #tpu.memory_space<hbm>>, %arg3: memref<32x16x128xi32, #tpu.memory_space<hbm>>, %arg4: memref<65536x32xf32, #tpu.memory_space<hbm>>, %arg5: memref<65536xi32, #tpu.memory_space<hbm>>, %arg6: memref<16x128xi32, #tpu.memory_space<vmem>>, %arg7: memref<2048x32xf32, #tpu.memory_space<vmem>>, %arg8: memref<!tpu.dma_semaphore, #tpu.memory_space<semaphore_mem>>) attributes {dimension_semantics = [#tpu.dimension_semantics<core_parallel>, #tpu.dimension_semantics<subcore_parallel>], iteration_bounds = array<i64: 2, 16>, scalar_prefetch = 0 : i64, scratch_operands = 3 : i64, tpu.core_type = #tpu.core_type<sc_vector_subcore>, window_params = [{transform_indices = #map}, {transform_indices = #map1}, {transform_indices = #map}, {transform_indices = #map2}]} {
    %mul3A = arith.constant 2 : i32
    %mul3A_0 = arith.muli %arg1, %mul3A : i32
    %add3A = arith.addi %mul3A_0, %arg0 : i32
    "tpu.region"() ({
      %run_scoped3A_400 = tpu.sem_alloc : memref<!tpu.dma_semaphore, #tpu.memory_space<semaphore_mem>>
      %dma_start3A_401 = arith.constant 0 : i32
      %dma_start3A_402 = arith.constant 0 : i32
      %dma_start3A_403 = tpu.memref_slice %arg3[%add3A, %dma_start3A_401, %dma_start3A_402] : memref<32x16x128xi32, #tpu.memory_space<hbm>> -> memref<1x16x128xi32, #tpu.memory_space<hbm>>
      %dma_start3A_404 = tpu.memref_squeeze %dma_start3A_403 : memref<1x16x128xi32, #tpu.memory_space<hbm>> -> memref<16x128xi32, #tpu.memory_space<hbm>>
      %dma_start3A_405 = arith.constant 0 : i32
      %dma_start3A_406 = arith.constant 0 : i32
      %dma_start3A_407 = tpu.memref_slice %arg3[%add3A, %dma_start3A_405, %dma_start3A_406] : memref<32x16x128xi32, #tpu.memory_space<hbm>> -> memref<1x16x128xi32, #tpu.memory_space<hbm>>
      %dma_start3A_408 = tpu.memref_squeeze %dma_start3A_407 : memref<1x16x128xi32, #tpu.memory_space<hbm>> -> memref<16x128xi32, #tpu.memory_space<hbm>>
      tpu.enqueue_dma source(%dma_start3A_408 : memref<16x128xi32, #tpu.memory_space<hbm>>) target(%arg6 : memref<16x128xi32, #tpu.memory_space<vmem>>) target_semaphore(%run_scoped3A_400 : memref<!tpu.dma_semaphore, #tpu.memory_space<semaphore_mem>>)
      %dma_wait3A_409 = arith.constant 0 : i32
      %dma_wait3A_410 = arith.constant 0 : i32
      %dma_wait3A_411 = tpu.memref_slice %arg3[%add3A, %dma_wait3A_409, %dma_wait3A_410] : memref<32x16x128xi32, #tpu.memory_space<hbm>> -> memref<1x16x128xi32, #tpu.memory_space<hbm>>
      %dma_wait3A_412 = tpu.memref_squeeze %dma_wait3A_411 : memref<1x16x128xi32, #tpu.memory_space<hbm>> -> memref<16x128xi32, #tpu.memory_space<hbm>>
      %dma_wait3A_413 = arith.constant 0 : i32
      %dma_wait3A_414 = arith.constant 0 : i32
      %dma_wait3A_415 = tpu.memref_slice %arg3[%add3A, %dma_wait3A_413, %dma_wait3A_414] : memref<32x16x128xi32, #tpu.memory_space<hbm>> -> memref<1x16x128xi32, #tpu.memory_space<hbm>>
      %dma_wait3A_416 = tpu.memref_squeeze %dma_wait3A_415 : memref<1x16x128xi32, #tpu.memory_space<hbm>> -> memref<16x128xi32, #tpu.memory_space<hbm>>
      tpu.wait_dma2 semaphore(%run_scoped3A_400 : memref<!tpu.dma_semaphore, #tpu.memory_space<semaphore_mem>>) src(%dma_wait3A_416 : memref<16x128xi32, #tpu.memory_space<hbm>>) dst(%arg6 : memref<16x128xi32, #tpu.memory_space<vmem>>)
      tpu.yield
    }) : () -> ()
    %dma_start3A = arith.constant 0 : i32
    %dma_start3A_1 = arith.constant 0 : i32
    %dma_start3A_2 = arith.constant 0 : i32
    %dma_start3A_3 = tpu.memref_slice %arg7[%dma_start3A_1, %dma_start3A_2] : memref<2048x32xf32, #tpu.memory_space<vmem>> -> memref<128x32xf32, #tpu.memory_space<vmem>>
    %dma_start3A_4 = arith.constant 0 : i32
    %dma_start3A_5 = tpu.memref_slice %arg6[%dma_start3A, %dma_start3A_4] : memref<16x128xi32, #tpu.memory_space<vmem>> -> memref<1x128xi32, #tpu.memory_space<vmem>>
    %dma_start3A_6 = tpu.memref_squeeze %dma_start3A_5 : memref<1x128xi32, #tpu.memory_space<vmem>> -> memref<128xi32, #tpu.memory_space<vmem>>
    %dma_start3A_7 = arith.constant 0 : i32
    %dma_start3A_8 = arith.constant 0 : i32
    %dma_start3A_9 = tpu.memref_slice %arg2[%dma_start3A_7, %dma_start3A_8] : memref<512x32xf32, #tpu.memory_space<hbm>> -> memref<512x32xf32, #tpu.memory_space<hbm>>
    tpu.enqueue_indirect_dma source(%dma_start3A_9 : memref<512x32xf32, #tpu.memory_space<hbm>>) target(%dma_start3A_3 : memref<128x32xf32, #tpu.memory_space<vmem>>) offsets(%dma_start3A_6 : memref<128xi32, #tpu.memory_space<vmem>>) semaphore(%arg8 : memref<!tpu.dma_semaphore, #tpu.memory_space<semaphore_mem>>)
    %dma_start3A_10 = arith.constant 1 : i32
    %dma_start3A_11 = arith.constant 128 : i32
    %dma_start3A_12 = arith.constant 0 : i32
    %dma_start3A_13 = tpu.memref_slice %arg7[%dma_start3A_11, %dma_start3A_12] : memref<2048x32xf32, #tpu.memory_space<vmem>> -> memref<128x32xf32, #tpu.memory_space<vmem>>
    %dma_start3A_14 = arith.constant 0 : i32
    %dma_start3A_15 = tpu.memref_slice %arg6[%dma_start3A_10, %dma_start3A_14] : memref<16x128xi32, #tpu.memory_space<vmem>> -> memref<1x128xi32, #tpu.memory_space<vmem>>
    %dma_start3A_16 = tpu.memref_squeeze %dma_start3A_15 : memref<1x128xi32, #tpu.memory_space<vmem>> -> memref<128xi32, #tpu.memory_space<vmem>>
    %dma_start3A_17 = arith.constant 0 : i32
    %dma_start3A_18 = arith.constant 0 : i32
    %dma_start3A_19 = tpu.memref_slice %arg2[%dma_start3A_17, %dma_start3A_18] : memref<512x32xf32, #tpu.memory_space<hbm>> -> memref<512x32xf32, #tpu.memory_space<hbm>>
    tpu.enqueue_indirect_dma source(%dma_start3A_19 : memref<512x32xf32, #tpu.memory_space<hbm>>) target(%dma_start3A_13 : memref<128x32xf32, #tpu.memory_space<vmem>>) offsets(%dma_start3A_16 : memref<128xi32, #tpu.memory_space<vmem>>) semaphore(%arg8 : memref<!tpu.dma_semaphore, #tpu.memory_space<semaphore_mem>>)
    %dma_start3A_20 = arith.constant 2 : i32
    %dma_start3A_21 = arith.constant 256 : i32
    %dma_start3A_22 = arith.constant 0 : i32
    %dma_start3A_23 = tpu.memref_slice %arg7[%dma_start3A_21, %dma_start3A_22] : memref<2048x32xf32, #tpu.memory_space<vmem>> -> memref<128x32xf32, #tpu.memory_space<vmem>>
    %dma_start3A_24 = arith.constant 0 : i32
    %dma_start3A_25 = tpu.memref_slice %arg6[%dma_start3A_20, %dma_start3A_24] : memref<16x128xi32, #tpu.memory_space<vmem>> -> memref<1x128xi32, #tpu.memory_space<vmem>>
    %dma_start3A_26 = tpu.memref_squeeze %dma_start3A_25 : memref<1x128xi32, #tpu.memory_space<vmem>> -> memref<128xi32, #tpu.memory_space<vmem>>
    %dma_start3A_27 = arith.constant 0 : i32
    %dma_start3A_28 = arith.constant 0 : i32
    %dma_start3A_29 = tpu.memref_slice %arg2[%dma_start3A_27, %dma_start3A_28] : memref<512x32xf32, #tpu.memory_space<hbm>> -> memref<512x32xf32, #tpu.memory_space<hbm>>
    tpu.enqueue_indirect_dma source(%dma_start3A_29 : memref<512x32xf32, #tpu.memory_space<hbm>>) target(%dma_start3A_23 : memref<128x32xf32, #tpu.memory_space<vmem>>) offsets(%dma_start3A_26 : memref<128xi32, #tpu.memory_space<vmem>>) semaphore(%arg8 : memref<!tpu.dma_semaphore, #tpu.memory_space<semaphore_mem>>)
    %dma_start3A_30 = arith.constant 3 : i32
    %dma_start3A_31 = arith.constant 384 : i32
    %dma_start3A_32 = arith.constant 0 : i32
    %dma_start3A_33 = tpu.memref_slice %arg7[%dma_start3A_31, %dma_start3A_32] : memref<2048x32xf32, #tpu.memory_space<vmem>> -> memref<128x32xf32, #tpu.memory_space<vmem>>
    %dma_start3A_34 = arith.constant 0 : i32
    %dma_start3A_35 = tpu.memref_slice %arg6[%dma_start3A_30, %dma_start3A_34] : memref<16x128xi32, #tpu.memory_space<vmem>> -> memref<1x128xi32, #tpu.memory_space<vmem>>
    %dma_start3A_36 = tpu.memref_squeeze %dma_start3A_35 : memref<1x128xi32, #tpu.memory_space<vmem>> -> memref<128xi32, #tpu.memory_space<vmem>>
    %dma_start3A_37 = arith.constant 0 : i32
    %dma_start3A_38 = arith.constant 0 : i32
    %dma_start3A_39 = tpu.memref_slice %arg2[%dma_start3A_37, %dma_start3A_38] : memref<512x32xf32, #tpu.memory_space<hbm>> -> memref<512x32xf32, #tpu.memory_space<hbm>>
    tpu.enqueue_indirect_dma source(%dma_start3A_39 : memref<512x32xf32, #tpu.memory_space<hbm>>) target(%dma_start3A_33 : memref<128x32xf32, #tpu.memory_space<vmem>>) offsets(%dma_start3A_36 : memref<128xi32, #tpu.memory_space<vmem>>) semaphore(%arg8 : memref<!tpu.dma_semaphore, #tpu.memory_space<semaphore_mem>>)
    %dma_start3A_40 = arith.constant 4 : i32
    %dma_start3A_41 = arith.constant 512 : i32
    %dma_start3A_42 = arith.constant 0 : i32
    %dma_start3A_43 = tpu.memref_slice %arg7[%dma_start3A_41, %dma_start3A_42] : memref<2048x32xf32, #tpu.memory_space<vmem>> -> memref<128x32xf32, #tpu.memory_space<vmem>>
    %dma_start3A_44 = arith.constant 0 : i32
    %dma_start3A_45 = tpu.memref_slice %arg6[%dma_start3A_40, %dma_start3A_44] : memref<16x128xi32, #tpu.memory_space<vmem>> -> memref<1x128xi32, #tpu.memory_space<vmem>>
    %dma_start3A_46 = tpu.memref_squeeze %dma_start3A_45 : memref<1x128xi32, #tpu.memory_space<vmem>> -> memref<128xi32, #tpu.memory_space<vmem>>
    %dma_start3A_47 = arith.constant 0 : i32
    %dma_start3A_48 = arith.constant 0 : i32
    %dma_start3A_49 = tpu.memref_slice %arg2[%dma_start3A_47, %dma_start3A_48] : memref<512x32xf32, #tpu.memory_space<hbm>> -> memref<512x32xf32, #tpu.memory_space<hbm>>
    tpu.enqueue_indirect_dma source(%dma_start3A_49 : memref<512x32xf32, #tpu.memory_space<hbm>>) target(%dma_start3A_43 : memref<128x32xf32, #tpu.memory_space<vmem>>) offsets(%dma_start3A_46 : memref<128xi32, #tpu.memory_space<vmem>>) semaphore(%arg8 : memref<!tpu.dma_semaphore, #tpu.memory_space<semaphore_mem>>)
    %dma_start3A_50 = arith.constant 5 : i32
    %dma_start3A_51 = arith.constant 640 : i32
    %dma_start3A_52 = arith.constant 0 : i32
    %dma_start3A_53 = tpu.memref_slice %arg7[%dma_start3A_51, %dma_start3A_52] : memref<2048x32xf32, #tpu.memory_space<vmem>> -> memref<128x32xf32, #tpu.memory_space<vmem>>
    %dma_start3A_54 = arith.constant 0 : i32
    %dma_start3A_55 = tpu.memref_slice %arg6[%dma_start3A_50, %dma_start3A_54] : memref<16x128xi32, #tpu.memory_space<vmem>> -> memref<1x128xi32, #tpu.memory_space<vmem>>
    %dma_start3A_56 = tpu.memref_squeeze %dma_start3A_55 : memref<1x128xi32, #tpu.memory_space<vmem>> -> memref<128xi32, #tpu.memory_space<vmem>>
    %dma_start3A_57 = arith.constant 0 : i32
    %dma_start3A_58 = arith.constant 0 : i32
    %dma_start3A_59 = tpu.memref_slice %arg2[%dma_start3A_57, %dma_start3A_58] : memref<512x32xf32, #tpu.memory_space<hbm>> -> memref<512x32xf32, #tpu.memory_space<hbm>>
    tpu.enqueue_indirect_dma source(%dma_start3A_59 : memref<512x32xf32, #tpu.memory_space<hbm>>) target(%dma_start3A_53 : memref<128x32xf32, #tpu.memory_space<vmem>>) offsets(%dma_start3A_56 : memref<128xi32, #tpu.memory_space<vmem>>) semaphore(%arg8 : memref<!tpu.dma_semaphore, #tpu.memory_space<semaphore_mem>>)
    %dma_start3A_60 = arith.constant 6 : i32
    %dma_start3A_61 = arith.constant 768 : i32
    %dma_start3A_62 = arith.constant 0 : i32
    %dma_start3A_63 = tpu.memref_slice %arg7[%dma_start3A_61, %dma_start3A_62] : memref<2048x32xf32, #tpu.memory_space<vmem>> -> memref<128x32xf32, #tpu.memory_space<vmem>>
    %dma_start3A_64 = arith.constant 0 : i32
    %dma_start3A_65 = tpu.memref_slice %arg6[%dma_start3A_60, %dma_start3A_64] : memref<16x128xi32, #tpu.memory_space<vmem>> -> memref<1x128xi32, #tpu.memory_space<vmem>>
    %dma_start3A_66 = tpu.memref_squeeze %dma_start3A_65 : memref<1x128xi32, #tpu.memory_space<vmem>> -> memref<128xi32, #tpu.memory_space<vmem>>
    %dma_start3A_67 = arith.constant 0 : i32
    %dma_start3A_68 = arith.constant 0 : i32
    %dma_start3A_69 = tpu.memref_slice %arg2[%dma_start3A_67, %dma_start3A_68] : memref<512x32xf32, #tpu.memory_space<hbm>> -> memref<512x32xf32, #tpu.memory_space<hbm>>
    tpu.enqueue_indirect_dma source(%dma_start3A_69 : memref<512x32xf32, #tpu.memory_space<hbm>>) target(%dma_start3A_63 : memref<128x32xf32, #tpu.memory_space<vmem>>) offsets(%dma_start3A_66 : memref<128xi32, #tpu.memory_space<vmem>>) semaphore(%arg8 : memref<!tpu.dma_semaphore, #tpu.memory_space<semaphore_mem>>)
    %dma_start3A_70 = arith.constant 7 : i32
    %dma_start3A_71 = arith.constant 896 : i32
    %dma_start3A_72 = arith.constant 0 : i32
    %dma_start3A_73 = tpu.memref_slice %arg7[%dma_start3A_71, %dma_start3A_72] : memref<2048x32xf32, #tpu.memory_space<vmem>> -> memref<128x32xf32, #tpu.memory_space<vmem>>
    %dma_start3A_74 = arith.constant 0 : i32
    %dma_start3A_75 = tpu.memref_slice %arg6[%dma_start3A_70, %dma_start3A_74] : memref<16x128xi32, #tpu.memory_space<vmem>> -> memref<1x128xi32, #tpu.memory_space<vmem>>
    %dma_start3A_76 = tpu.memref_squeeze %dma_start3A_75 : memref<1x128xi32, #tpu.memory_space<vmem>> -> memref<128xi32, #tpu.memory_space<vmem>>
    %dma_start3A_77 = arith.constant 0 : i32
    %dma_start3A_78 = arith.constant 0 : i32
    %dma_start3A_79 = tpu.memref_slice %arg2[%dma_start3A_77, %dma_start3A_78] : memref<512x32xf32, #tpu.memory_space<hbm>> -> memref<512x32xf32, #tpu.memory_space<hbm>>
    tpu.enqueue_indirect_dma source(%dma_start3A_79 : memref<512x32xf32, #tpu.memory_space<hbm>>) target(%dma_start3A_73 : memref<128x32xf32, #tpu.memory_space<vmem>>) offsets(%dma_start3A_76 : memref<128xi32, #tpu.memory_space<vmem>>) semaphore(%arg8 : memref<!tpu.dma_semaphore, #tpu.memory_space<semaphore_mem>>)
    %dma_start3A_80 = arith.constant 8 : i32
    %dma_start3A_81 = arith.constant 1024 : i32
    %dma_start3A_82 = arith.constant 0 : i32
    %dma_start3A_83 = tpu.memref_slice %arg7[%dma_start3A_81, %dma_start3A_82] : memref<2048x32xf32, #tpu.memory_space<vmem>> -> memref<128x32xf32, #tpu.memory_space<vmem>>
    %dma_start3A_84 = arith.constant 0 : i32
    %dma_start3A_85 = tpu.memref_slice %arg6[%dma_start3A_80, %dma_start3A_84] : memref<16x128xi32, #tpu.memory_space<vmem>> -> memref<1x128xi32, #tpu.memory_space<vmem>>
    %dma_start3A_86 = tpu.memref_squeeze %dma_start3A_85 : memref<1x128xi32, #tpu.memory_space<vmem>> -> memref<128xi32, #tpu.memory_space<vmem>>
    %dma_start3A_87 = arith.constant 0 : i32
    %dma_start3A_88 = arith.constant 0 : i32
    %dma_start3A_89 = tpu.memref_slice %arg2[%dma_start3A_87, %dma_start3A_88] : memref<512x32xf32, #tpu.memory_space<hbm>> -> memref<512x32xf32, #tpu.memory_space<hbm>>
    tpu.enqueue_indirect_dma source(%dma_start3A_89 : memref<512x32xf32, #tpu.memory_space<hbm>>) target(%dma_start3A_83 : memref<128x32xf32, #tpu.memory_space<vmem>>) offsets(%dma_start3A_86 : memref<128xi32, #tpu.memory_space<vmem>>) semaphore(%arg8 : memref<!tpu.dma_semaphore, #tpu.memory_space<semaphore_mem>>)
    %dma_start3A_90 = arith.constant 9 : i32
    %dma_start3A_91 = arith.constant 1152 : i32
    %dma_start3A_92 = arith.constant 0 : i32
    %dma_start3A_93 = tpu.memref_slice %arg7[%dma_start3A_91, %dma_start3A_92] : memref<2048x32xf32, #tpu.memory_space<vmem>> -> memref<128x32xf32, #tpu.memory_space<vmem>>
    %dma_start3A_94 = arith.constant 0 : i32
    %dma_start3A_95 = tpu.memref_slice %arg6[%dma_start3A_90, %dma_start3A_94] : memref<16x128xi32, #tpu.memory_space<vmem>> -> memref<1x128xi32, #tpu.memory_space<vmem>>
    %dma_start3A_96 = tpu.memref_squeeze %dma_start3A_95 : memref<1x128xi32, #tpu.memory_space<vmem>> -> memref<128xi32, #tpu.memory_space<vmem>>
    %dma_start3A_97 = arith.constant 0 : i32
    %dma_start3A_98 = arith.constant 0 : i32
    %dma_start3A_99 = tpu.memref_slice %arg2[%dma_start3A_97, %dma_start3A_98] : memref<512x32xf32, #tpu.memory_space<hbm>> -> memref<512x32xf32, #tpu.memory_space<hbm>>
    tpu.enqueue_indirect_dma source(%dma_start3A_99 : memref<512x32xf32, #tpu.memory_space<hbm>>) target(%dma_start3A_93 : memref<128x32xf32, #tpu.memory_space<vmem>>) offsets(%dma_start3A_96 : memref<128xi32, #tpu.memory_space<vmem>>) semaphore(%arg8 : memref<!tpu.dma_semaphore, #tpu.memory_space<semaphore_mem>>)
    %dma_start3A_100 = arith.constant 10 : i32
    %dma_start3A_101 = arith.constant 1280 : i32
    %dma_start3A_102 = arith.constant 0 : i32
    %dma_start3A_103 = tpu.memref_slice %arg7[%dma_start3A_101, %dma_start3A_102] : memref<2048x32xf32, #tpu.memory_space<vmem>> -> memref<128x32xf32, #tpu.memory_space<vmem>>
    %dma_start3A_104 = arith.constant 0 : i32
    %dma_start3A_105 = tpu.memref_slice %arg6[%dma_start3A_100, %dma_start3A_104] : memref<16x128xi32, #tpu.memory_space<vmem>> -> memref<1x128xi32, #tpu.memory_space<vmem>>
    %dma_start3A_106 = tpu.memref_squeeze %dma_start3A_105 : memref<1x128xi32, #tpu.memory_space<vmem>> -> memref<128xi32, #tpu.memory_space<vmem>>
    %dma_start3A_107 = arith.constant 0 : i32
    %dma_start3A_108 = arith.constant 0 : i32
    %dma_start3A_109 = tpu.memref_slice %arg2[%dma_start3A_107, %dma_start3A_108] : memref<512x32xf32, #tpu.memory_space<hbm>> -> memref<512x32xf32, #tpu.memory_space<hbm>>
    tpu.enqueue_indirect_dma source(%dma_start3A_109 : memref<512x32xf32, #tpu.memory_space<hbm>>) target(%dma_start3A_103 : memref<128x32xf32, #tpu.memory_space<vmem>>) offsets(%dma_start3A_106 : memref<128xi32, #tpu.memory_space<vmem>>) semaphore(%arg8 : memref<!tpu.dma_semaphore, #tpu.memory_space<semaphore_mem>>)
    %dma_start3A_110 = arith.constant 11 : i32
    %dma_start3A_111 = arith.constant 1408 : i32
    %dma_start3A_112 = arith.constant 0 : i32
    %dma_start3A_113 = tpu.memref_slice %arg7[%dma_start3A_111, %dma_start3A_112] : memref<2048x32xf32, #tpu.memory_space<vmem>> -> memref<128x32xf32, #tpu.memory_space<vmem>>
    %dma_start3A_114 = arith.constant 0 : i32
    %dma_start3A_115 = tpu.memref_slice %arg6[%dma_start3A_110, %dma_start3A_114] : memref<16x128xi32, #tpu.memory_space<vmem>> -> memref<1x128xi32, #tpu.memory_space<vmem>>
    %dma_start3A_116 = tpu.memref_squeeze %dma_start3A_115 : memref<1x128xi32, #tpu.memory_space<vmem>> -> memref<128xi32, #tpu.memory_space<vmem>>
    %dma_start3A_117 = arith.constant 0 : i32
    %dma_start3A_118 = arith.constant 0 : i32
    %dma_start3A_119 = tpu.memref_slice %arg2[%dma_start3A_117, %dma_start3A_118] : memref<512x32xf32, #tpu.memory_space<hbm>> -> memref<512x32xf32, #tpu.memory_space<hbm>>
    tpu.enqueue_indirect_dma source(%dma_start3A_119 : memref<512x32xf32, #tpu.memory_space<hbm>>) target(%dma_start3A_113 : memref<128x32xf32, #tpu.memory_space<vmem>>) offsets(%dma_start3A_116 : memref<128xi32, #tpu.memory_space<vmem>>) semaphore(%arg8 : memref<!tpu.dma_semaphore, #tpu.memory_space<semaphore_mem>>)
    %dma_start3A_120 = arith.constant 12 : i32
    %dma_start3A_121 = arith.constant 1536 : i32
    %dma_start3A_122 = arith.constant 0 : i32
    %dma_start3A_123 = tpu.memref_slice %arg7[%dma_start3A_121, %dma_start3A_122] : memref<2048x32xf32, #tpu.memory_space<vmem>> -> memref<128x32xf32, #tpu.memory_space<vmem>>
    %dma_start3A_124 = arith.constant 0 : i32
    %dma_start3A_125 = tpu.memref_slice %arg6[%dma_start3A_120, %dma_start3A_124] : memref<16x128xi32, #tpu.memory_space<vmem>> -> memref<1x128xi32, #tpu.memory_space<vmem>>
    %dma_start3A_126 = tpu.memref_squeeze %dma_start3A_125 : memref<1x128xi32, #tpu.memory_space<vmem>> -> memref<128xi32, #tpu.memory_space<vmem>>
    %dma_start3A_127 = arith.constant 0 : i32
    %dma_start3A_128 = arith.constant 0 : i32
    %dma_start3A_129 = tpu.memref_slice %arg2[%dma_start3A_127, %dma_start3A_128] : memref<512x32xf32, #tpu.memory_space<hbm>> -> memref<512x32xf32, #tpu.memory_space<hbm>>
    tpu.enqueue_indirect_dma source(%dma_start3A_129 : memref<512x32xf32, #tpu.memory_space<hbm>>) target(%dma_start3A_123 : memref<128x32xf32, #tpu.memory_space<vmem>>) offsets(%dma_start3A_126 : memref<128xi32, #tpu.memory_space<vmem>>) semaphore(%arg8 : memref<!tpu.dma_semaphore, #tpu.memory_space<semaphore_mem>>)
    %dma_start3A_130 = arith.constant 13 : i32
    %dma_start3A_131 = arith.constant 1664 : i32
    %dma_start3A_132 = arith.constant 0 : i32
    %dma_start3A_133 = tpu.memref_slice %arg7[%dma_start3A_131, %dma_start3A_132] : memref<2048x32xf32, #tpu.memory_space<vmem>> -> memref<128x32xf32, #tpu.memory_space<vmem>>
    %dma_start3A_134 = arith.constant 0 : i32
    %dma_start3A_135 = tpu.memref_slice %arg6[%dma_start3A_130, %dma_start3A_134] : memref<16x128xi32, #tpu.memory_space<vmem>> -> memref<1x128xi32, #tpu.memory_space<vmem>>
    %dma_start3A_136 = tpu.memref_squeeze %dma_start3A_135 : memref<1x128xi32, #tpu.memory_space<vmem>> -> memref<128xi32, #tpu.memory_space<vmem>>
    %dma_start3A_137 = arith.constant 0 : i32
    %dma_start3A_138 = arith.constant 0 : i32
    %dma_start3A_139 = tpu.memref_slice %arg2[%dma_start3A_137, %dma_start3A_138] : memref<512x32xf32, #tpu.memory_space<hbm>> -> memref<512x32xf32, #tpu.memory_space<hbm>>
    tpu.enqueue_indirect_dma source(%dma_start3A_139 : memref<512x32xf32, #tpu.memory_space<hbm>>) target(%dma_start3A_133 : memref<128x32xf32, #tpu.memory_space<vmem>>) offsets(%dma_start3A_136 : memref<128xi32, #tpu.memory_space<vmem>>) semaphore(%arg8 : memref<!tpu.dma_semaphore, #tpu.memory_space<semaphore_mem>>)
    %dma_start3A_140 = arith.constant 14 : i32
    %dma_start3A_141 = arith.constant 1792 : i32
    %dma_start3A_142 = arith.constant 0 : i32
    %dma_start3A_143 = tpu.memref_slice %arg7[%dma_start3A_141, %dma_start3A_142] : memref<2048x32xf32, #tpu.memory_space<vmem>> -> memref<128x32xf32, #tpu.memory_space<vmem>>
    %dma_start3A_144 = arith.constant 0 : i32
    %dma_start3A_145 = tpu.memref_slice %arg6[%dma_start3A_140, %dma_start3A_144] : memref<16x128xi32, #tpu.memory_space<vmem>> -> memref<1x128xi32, #tpu.memory_space<vmem>>
    %dma_start3A_146 = tpu.memref_squeeze %dma_start3A_145 : memref<1x128xi32, #tpu.memory_space<vmem>> -> memref<128xi32, #tpu.memory_space<vmem>>
    %dma_start3A_147 = arith.constant 0 : i32
    %dma_start3A_148 = arith.constant 0 : i32
    %dma_start3A_149 = tpu.memref_slice %arg2[%dma_start3A_147, %dma_start3A_148] : memref<512x32xf32, #tpu.memory_space<hbm>> -> memref<512x32xf32, #tpu.memory_space<hbm>>
    tpu.enqueue_indirect_dma source(%dma_start3A_149 : memref<512x32xf32, #tpu.memory_space<hbm>>) target(%dma_start3A_143 : memref<128x32xf32, #tpu.memory_space<vmem>>) offsets(%dma_start3A_146 : memref<128xi32, #tpu.memory_space<vmem>>) semaphore(%arg8 : memref<!tpu.dma_semaphore, #tpu.memory_space<semaphore_mem>>)
    %dma_start3A_150 = arith.constant 15 : i32
    %dma_start3A_151 = arith.constant 1920 : i32
    %dma_start3A_152 = arith.constant 0 : i32
    %dma_start3A_153 = tpu.memref_slice %arg7[%dma_start3A_151, %dma_start3A_152] : memref<2048x32xf32, #tpu.memory_space<vmem>> -> memref<128x32xf32, #tpu.memory_space<vmem>>
    %dma_start3A_154 = arith.constant 0 : i32
    %dma_start3A_155 = tpu.memref_slice %arg6[%dma_start3A_150, %dma_start3A_154] : memref<16x128xi32, #tpu.memory_space<vmem>> -> memref<1x128xi32, #tpu.memory_space<vmem>>
    %dma_start3A_156 = tpu.memref_squeeze %dma_start3A_155 : memref<1x128xi32, #tpu.memory_space<vmem>> -> memref<128xi32, #tpu.memory_space<vmem>>
    %dma_start3A_157 = arith.constant 0 : i32
    %dma_start3A_158 = arith.constant 0 : i32
    %dma_start3A_159 = tpu.memref_slice %arg2[%dma_start3A_157, %dma_start3A_158] : memref<512x32xf32, #tpu.memory_space<hbm>> -> memref<512x32xf32, #tpu.memory_space<hbm>>
    tpu.enqueue_indirect_dma source(%dma_start3A_159 : memref<512x32xf32, #tpu.memory_space<hbm>>) target(%dma_start3A_153 : memref<128x32xf32, #tpu.memory_space<vmem>>) offsets(%dma_start3A_156 : memref<128xi32, #tpu.memory_space<vmem>>) semaphore(%arg8 : memref<!tpu.dma_semaphore, #tpu.memory_space<semaphore_mem>>)
    %mul3A_160 = arith.constant 2048 : i32
    %mul3A_161 = arith.muli %add3A, %mul3A_160 : i32
    %add3A_162 = arith.constant 0 : i32
    %add3A_163 = arith.addi %mul3A_161, %add3A_162 : i32
    %run_scoped3A = arith.constant 0 : i32
    "tpu.region"() ({
      %run_scoped3A_400 = tpu.sem_alloc : memref<!tpu.dma_semaphore, #tpu.memory_space<semaphore_mem>>
      %dma_start3A_401 = arith.constant 0 : i32
      %dma_start3A_402 = tpu.memref_slice %arg6[%run_scoped3A, %dma_start3A_401] : memref<16x128xi32, #tpu.memory_space<vmem>> -> memref<1x128xi32, #tpu.memory_space<vmem>>
      %dma_start3A_403 = tpu.memref_squeeze %dma_start3A_402 : memref<1x128xi32, #tpu.memory_space<vmem>> -> memref<128xi32, #tpu.memory_space<vmem>>
      %dma_start3A_404 = tpu.memref_slice %arg5[%add3A_163] : memref<65536xi32, #tpu.memory_space<hbm>> -> memref<128xi32, #tpu.memory_space<hbm>>
      %dma_start3A_405 = tpu.memref_slice %arg5[%add3A_163] : memref<65536xi32, #tpu.memory_space<hbm>> -> memref<128xi32, #tpu.memory_space<hbm>>
      %dma_start3A_406 = arith.constant 0 : i32
      %dma_start3A_407 = tpu.memref_slice %arg6[%run_scoped3A, %dma_start3A_406] : memref<16x128xi32, #tpu.memory_space<vmem>> -> memref<1x128xi32, #tpu.memory_space<vmem>>
      %dma_start3A_408 = tpu.memref_squeeze %dma_start3A_407 : memref<1x128xi32, #tpu.memory_space<vmem>> -> memref<128xi32, #tpu.memory_space<vmem>>
      tpu.enqueue_dma source(%dma_start3A_408 : memref<128xi32, #tpu.memory_space<vmem>>) target(%dma_start3A_405 : memref<128xi32, #tpu.memory_space<hbm>>) target_semaphore(%run_scoped3A_400 : memref<!tpu.dma_semaphore, #tpu.memory_space<semaphore_mem>>)
      %dma_wait3A_409 = arith.constant 0 : i32
      %dma_wait3A_410 = tpu.memref_slice %arg6[%run_scoped3A, %dma_wait3A_409] : memref<16x128xi32, #tpu.memory_space<vmem>> -> memref<1x128xi32, #tpu.memory_space<vmem>>
      %dma_wait3A_411 = tpu.memref_squeeze %dma_wait3A_410 : memref<1x128xi32, #tpu.memory_space<vmem>> -> memref<128xi32, #tpu.memory_space<vmem>>
      %dma_wait3A_412 = tpu.memref_slice %arg5[%add3A_163] : memref<65536xi32, #tpu.memory_space<hbm>> -> memref<128xi32, #tpu.memory_space<hbm>>
      %dma_wait3A_413 = tpu.memref_slice %arg5[%add3A_163] : memref<65536xi32, #tpu.memory_space<hbm>> -> memref<128xi32, #tpu.memory_space<hbm>>
      %dma_wait3A_414 = arith.constant 0 : i32
      %dma_wait3A_415 = tpu.memref_slice %arg6[%run_scoped3A, %dma_wait3A_414] : memref<16x128xi32, #tpu.memory_space<vmem>> -> memref<1x128xi32, #tpu.memory_space<vmem>>
      %dma_wait3A_416 = tpu.memref_squeeze %dma_wait3A_415 : memref<1x128xi32, #tpu.memory_space<vmem>> -> memref<128xi32, #tpu.memory_space<vmem>>
      tpu.wait_dma2 semaphore(%run_scoped3A_400 : memref<!tpu.dma_semaphore, #tpu.memory_space<semaphore_mem>>) src(%dma_wait3A_416 : memref<128xi32, #tpu.memory_space<vmem>>) dst(%dma_wait3A_413 : memref<128xi32, #tpu.memory_space<hbm>>)
      tpu.yield
    }) : () -> ()
    %mul3A_164 = arith.constant 2048 : i32
    %mul3A_165 = arith.muli %add3A, %mul3A_164 : i32
    %add3A_166 = arith.constant 128 : i32
    %add3A_167 = arith.addi %mul3A_165, %add3A_166 : i32
    %run_scoped3A_168 = arith.constant 1 : i32
    "tpu.region"() ({
      %run_scoped3A_400 = tpu.sem_alloc : memref<!tpu.dma_semaphore, #tpu.memory_space<semaphore_mem>>
      %dma_start3A_401 = arith.constant 0 : i32
      %dma_start3A_402 = tpu.memref_slice %arg6[%run_scoped3A_168, %dma_start3A_401] : memref<16x128xi32, #tpu.memory_space<vmem>> -> memref<1x128xi32, #tpu.memory_space<vmem>>
      %dma_start3A_403 = tpu.memref_squeeze %dma_start3A_402 : memref<1x128xi32, #tpu.memory_space<vmem>> -> memref<128xi32, #tpu.memory_space<vmem>>
      %dma_start3A_404 = tpu.memref_slice %arg5[%add3A_167] : memref<65536xi32, #tpu.memory_space<hbm>> -> memref<128xi32, #tpu.memory_space<hbm>>
      %dma_start3A_405 = tpu.memref_slice %arg5[%add3A_167] : memref<65536xi32, #tpu.memory_space<hbm>> -> memref<128xi32, #tpu.memory_space<hbm>>
      %dma_start3A_406 = arith.constant 0 : i32
      %dma_start3A_407 = tpu.memref_slice %arg6[%run_scoped3A_168, %dma_start3A_406] : memref<16x128xi32, #tpu.memory_space<vmem>> -> memref<1x128xi32, #tpu.memory_space<vmem>>
      %dma_start3A_408 = tpu.memref_squeeze %dma_start3A_407 : memref<1x128xi32, #tpu.memory_space<vmem>> -> memref<128xi32, #tpu.memory_space<vmem>>
      tpu.enqueue_dma source(%dma_start3A_408 : memref<128xi32, #tpu.memory_space<vmem>>) target(%dma_start3A_405 : memref<128xi32, #tpu.memory_space<hbm>>) target_semaphore(%run_scoped3A_400 : memref<!tpu.dma_semaphore, #tpu.memory_space<semaphore_mem>>)
      %dma_wait3A_409 = arith.constant 0 : i32
      %dma_wait3A_410 = tpu.memref_slice %arg6[%run_scoped3A_168, %dma_wait3A_409] : memref<16x128xi32, #tpu.memory_space<vmem>> -> memref<1x128xi32, #tpu.memory_space<vmem>>
      %dma_wait3A_411 = tpu.memref_squeeze %dma_wait3A_410 : memref<1x128xi32, #tpu.memory_space<vmem>> -> memref<128xi32, #tpu.memory_space<vmem>>
      %dma_wait3A_412 = tpu.memref_slice %arg5[%add3A_167] : memref<65536xi32, #tpu.memory_space<hbm>> -> memref<128xi32, #tpu.memory_space<hbm>>
      %dma_wait3A_413 = tpu.memref_slice %arg5[%add3A_167] : memref<65536xi32, #tpu.memory_space<hbm>> -> memref<128xi32, #tpu.memory_space<hbm>>
      %dma_wait3A_414 = arith.constant 0 : i32
      %dma_wait3A_415 = tpu.memref_slice %arg6[%run_scoped3A_168, %dma_wait3A_414] : memref<16x128xi32, #tpu.memory_space<vmem>> -> memref<1x128xi32, #tpu.memory_space<vmem>>
      %dma_wait3A_416 = tpu.memref_squeeze %dma_wait3A_415 : memref<1x128xi32, #tpu.memory_space<vmem>> -> memref<128xi32, #tpu.memory_space<vmem>>
      tpu.wait_dma2 semaphore(%run_scoped3A_400 : memref<!tpu.dma_semaphore, #tpu.memory_space<semaphore_mem>>) src(%dma_wait3A_416 : memref<128xi32, #tpu.memory_space<vmem>>) dst(%dma_wait3A_413 : memref<128xi32, #tpu.memory_space<hbm>>)
      tpu.yield
    }) : () -> ()
    %mul3A_169 = arith.constant 2048 : i32
    %mul3A_170 = arith.muli %add3A, %mul3A_169 : i32
    %add3A_171 = arith.constant 256 : i32
    %add3A_172 = arith.addi %mul3A_170, %add3A_171 : i32
    %run_scoped3A_173 = arith.constant 2 : i32
    "tpu.region"() ({
      %run_scoped3A_400 = tpu.sem_alloc : memref<!tpu.dma_semaphore, #tpu.memory_space<semaphore_mem>>
      %dma_start3A_401 = arith.constant 0 : i32
      %dma_start3A_402 = tpu.memref_slice %arg6[%run_scoped3A_173, %dma_start3A_401] : memref<16x128xi32, #tpu.memory_space<vmem>> -> memref<1x128xi32, #tpu.memory_space<vmem>>
      %dma_start3A_403 = tpu.memref_squeeze %dma_start3A_402 : memref<1x128xi32, #tpu.memory_space<vmem>> -> memref<128xi32, #tpu.memory_space<vmem>>
      %dma_start3A_404 = tpu.memref_slice %arg5[%add3A_172] : memref<65536xi32, #tpu.memory_space<hbm>> -> memref<128xi32, #tpu.memory_space<hbm>>
      %dma_start3A_405 = tpu.memref_slice %arg5[%add3A_172] : memref<65536xi32, #tpu.memory_space<hbm>> -> memref<128xi32, #tpu.memory_space<hbm>>
      %dma_start3A_406 = arith.constant 0 : i32
      %dma_start3A_407 = tpu.memref_slice %arg6[%run_scoped3A_173, %dma_start3A_406] : memref<16x128xi32, #tpu.memory_space<vmem>> -> memref<1x128xi32, #tpu.memory_space<vmem>>
      %dma_start3A_408 = tpu.memref_squeeze %dma_start3A_407 : memref<1x128xi32, #tpu.memory_space<vmem>> -> memref<128xi32, #tpu.memory_space<vmem>>
      tpu.enqueue_dma source(%dma_start3A_408 : memref<128xi32, #tpu.memory_space<vmem>>) target(%dma_start3A_405 : memref<128xi32, #tpu.memory_space<hbm>>) target_semaphore(%run_scoped3A_400 : memref<!tpu.dma_semaphore, #tpu.memory_space<semaphore_mem>>)
      %dma_wait3A_409 = arith.constant 0 : i32
      %dma_wait3A_410 = tpu.memref_slice %arg6[%run_scoped3A_173, %dma_wait3A_409] : memref<16x128xi32, #tpu.memory_space<vmem>> -> memref<1x128xi32, #tpu.memory_space<vmem>>
      %dma_wait3A_411 = tpu.memref_squeeze %dma_wait3A_410 : memref<1x128xi32, #tpu.memory_space<vmem>> -> memref<128xi32, #tpu.memory_space<vmem>>
      %dma_wait3A_412 = tpu.memref_slice %arg5[%add3A_172] : memref<65536xi32, #tpu.memory_space<hbm>> -> memref<128xi32, #tpu.memory_space<hbm>>
      %dma_wait3A_413 = tpu.memref_slice %arg5[%add3A_172] : memref<65536xi32, #tpu.memory_space<hbm>> -> memref<128xi32, #tpu.memory_space<hbm>>
      %dma_wait3A_414 = arith.constant 0 : i32
      %dma_wait3A_415 = tpu.memref_slice %arg6[%run_scoped3A_173, %dma_wait3A_414] : memref<16x128xi32, #tpu.memory_space<vmem>> -> memref<1x128xi32, #tpu.memory_space<vmem>>
      %dma_wait3A_416 = tpu.memref_squeeze %dma_wait3A_415 : memref<1x128xi32, #tpu.memory_space<vmem>> -> memref<128xi32, #tpu.memory_space<vmem>>
      tpu.wait_dma2 semaphore(%run_scoped3A_400 : memref<!tpu.dma_semaphore, #tpu.memory_space<semaphore_mem>>) src(%dma_wait3A_416 : memref<128xi32, #tpu.memory_space<vmem>>) dst(%dma_wait3A_413 : memref<128xi32, #tpu.memory_space<hbm>>)
      tpu.yield
    }) : () -> ()
    %mul3A_174 = arith.constant 2048 : i32
    %mul3A_175 = arith.muli %add3A, %mul3A_174 : i32
    %add3A_176 = arith.constant 384 : i32
    %add3A_177 = arith.addi %mul3A_175, %add3A_176 : i32
    %run_scoped3A_178 = arith.constant 3 : i32
    "tpu.region"() ({
      %run_scoped3A_400 = tpu.sem_alloc : memref<!tpu.dma_semaphore, #tpu.memory_space<semaphore_mem>>
      %dma_start3A_401 = arith.constant 0 : i32
      %dma_start3A_402 = tpu.memref_slice %arg6[%run_scoped3A_178, %dma_start3A_401] : memref<16x128xi32, #tpu.memory_space<vmem>> -> memref<1x128xi32, #tpu.memory_space<vmem>>
      %dma_start3A_403 = tpu.memref_squeeze %dma_start3A_402 : memref<1x128xi32, #tpu.memory_space<vmem>> -> memref<128xi32, #tpu.memory_space<vmem>>
      %dma_start3A_404 = tpu.memref_slice %arg5[%add3A_177] : memref<65536xi32, #tpu.memory_space<hbm>> -> memref<128xi32, #tpu.memory_space<hbm>>
      %dma_start3A_405 = tpu.memref_slice %arg5[%add3A_177] : memref<65536xi32, #tpu.memory_space<hbm>> -> memref<128xi32, #tpu.memory_space<hbm>>
      %dma_start3A_406 = arith.constant 0 : i32
      %dma_start3A_407 = tpu.memref_slice %arg6[%run_scoped3A_178, %dma_start3A_406] : memref<16x128xi32, #tpu.memory_space<vmem>> -> memref<1x128xi32, #tpu.memory_space<vmem>>
      %dma_start3A_408 = tpu.memref_squeeze %dma_start3A_407 : memref<1x128xi32, #tpu.memory_space<vmem>> -> memref<128xi32, #tpu.memory_space<vmem>>
      tpu.enqueue_dma source(%dma_start3A_408 : memref<128xi32, #tpu.memory_space<vmem>>) target(%dma_start3A_405 : memref<128xi32, #tpu.memory_space<hbm>>) target_semaphore(%run_scoped3A_400 : memref<!tpu.dma_semaphore, #tpu.memory_space<semaphore_mem>>)
      %dma_wait3A_409 = arith.constant 0 : i32
      %dma_wait3A_410 = tpu.memref_slice %arg6[%run_scoped3A_178, %dma_wait3A_409] : memref<16x128xi32, #tpu.memory_space<vmem>> -> memref<1x128xi32, #tpu.memory_space<vmem>>
      %dma_wait3A_411 = tpu.memref_squeeze %dma_wait3A_410 : memref<1x128xi32, #tpu.memory_space<vmem>> -> memref<128xi32, #tpu.memory_space<vmem>>
      %dma_wait3A_412 = tpu.memref_slice %arg5[%add3A_177] : memref<65536xi32, #tpu.memory_space<hbm>> -> memref<128xi32, #tpu.memory_space<hbm>>
      %dma_wait3A_413 = tpu.memref_slice %arg5[%add3A_177] : memref<65536xi32, #tpu.memory_space<hbm>> -> memref<128xi32, #tpu.memory_space<hbm>>
      %dma_wait3A_414 = arith.constant 0 : i32
      %dma_wait3A_415 = tpu.memref_slice %arg6[%run_scoped3A_178, %dma_wait3A_414] : memref<16x128xi32, #tpu.memory_space<vmem>> -> memref<1x128xi32, #tpu.memory_space<vmem>>
      %dma_wait3A_416 = tpu.memref_squeeze %dma_wait3A_415 : memref<1x128xi32, #tpu.memory_space<vmem>> -> memref<128xi32, #tpu.memory_space<vmem>>
      tpu.wait_dma2 semaphore(%run_scoped3A_400 : memref<!tpu.dma_semaphore, #tpu.memory_space<semaphore_mem>>) src(%dma_wait3A_416 : memref<128xi32, #tpu.memory_space<vmem>>) dst(%dma_wait3A_413 : memref<128xi32, #tpu.memory_space<hbm>>)
      tpu.yield
    }) : () -> ()
    %mul3A_179 = arith.constant 2048 : i32
    %mul3A_180 = arith.muli %add3A, %mul3A_179 : i32
    %add3A_181 = arith.constant 512 : i32
    %add3A_182 = arith.addi %mul3A_180, %add3A_181 : i32
    %run_scoped3A_183 = arith.constant 4 : i32
    "tpu.region"() ({
      %run_scoped3A_400 = tpu.sem_alloc : memref<!tpu.dma_semaphore, #tpu.memory_space<semaphore_mem>>
      %dma_start3A_401 = arith.constant 0 : i32
      %dma_start3A_402 = tpu.memref_slice %arg6[%run_scoped3A_183, %dma_start3A_401] : memref<16x128xi32, #tpu.memory_space<vmem>> -> memref<1x128xi32, #tpu.memory_space<vmem>>
      %dma_start3A_403 = tpu.memref_squeeze %dma_start3A_402 : memref<1x128xi32, #tpu.memory_space<vmem>> -> memref<128xi32, #tpu.memory_space<vmem>>
      %dma_start3A_404 = tpu.memref_slice %arg5[%add3A_182] : memref<65536xi32, #tpu.memory_space<hbm>> -> memref<128xi32, #tpu.memory_space<hbm>>
      %dma_start3A_405 = tpu.memref_slice %arg5[%add3A_182] : memref<65536xi32, #tpu.memory_space<hbm>> -> memref<128xi32, #tpu.memory_space<hbm>>
      %dma_start3A_406 = arith.constant 0 : i32
      %dma_start3A_407 = tpu.memref_slice %arg6[%run_scoped3A_183, %dma_start3A_406] : memref<16x128xi32, #tpu.memory_space<vmem>> -> memref<1x128xi32, #tpu.memory_space<vmem>>
      %dma_start3A_408 = tpu.memref_squeeze %dma_start3A_407 : memref<1x128xi32, #tpu.memory_space<vmem>> -> memref<128xi32, #tpu.memory_space<vmem>>
      tpu.enqueue_dma source(%dma_start3A_408 : memref<128xi32, #tpu.memory_space<vmem>>) target(%dma_start3A_405 : memref<128xi32, #tpu.memory_space<hbm>>) target_semaphore(%run_scoped3A_400 : memref<!tpu.dma_semaphore, #tpu.memory_space<semaphore_mem>>)
      %dma_wait3A_409 = arith.constant 0 : i32
      %dma_wait3A_410 = tpu.memref_slice %arg6[%run_scoped3A_183, %dma_wait3A_409] : memref<16x128xi32, #tpu.memory_space<vmem>> -> memref<1x128xi32, #tpu.memory_space<vmem>>
      %dma_wait3A_411 = tpu.memref_squeeze %dma_wait3A_410 : memref<1x128xi32, #tpu.memory_space<vmem>> -> memref<128xi32, #tpu.memory_space<vmem>>
      %dma_wait3A_412 = tpu.memref_slice %arg5[%add3A_182] : memref<65536xi32, #tpu.memory_space<hbm>> -> memref<128xi32, #tpu.memory_space<hbm>>
      %dma_wait3A_413 = tpu.memref_slice %arg5[%add3A_182] : memref<65536xi32, #tpu.memory_space<hbm>> -> memref<128xi32, #tpu.memory_space<hbm>>
      %dma_wait3A_414 = arith.constant 0 : i32
      %dma_wait3A_415 = tpu.memref_slice %arg6[%run_scoped3A_183, %dma_wait3A_414] : memref<16x128xi32, #tpu.memory_space<vmem>> -> memref<1x128xi32, #tpu.memory_space<vmem>>
      %dma_wait3A_416 = tpu.memref_squeeze %dma_wait3A_415 : memref<1x128xi32, #tpu.memory_space<vmem>> -> memref<128xi32, #tpu.memory_space<vmem>>
      tpu.wait_dma2 semaphore(%run_scoped3A_400 : memref<!tpu.dma_semaphore, #tpu.memory_space<semaphore_mem>>) src(%dma_wait3A_416 : memref<128xi32, #tpu.memory_space<vmem>>) dst(%dma_wait3A_413 : memref<128xi32, #tpu.memory_space<hbm>>)
      tpu.yield
    }) : () -> ()
    %mul3A_184 = arith.constant 2048 : i32
    %mul3A_185 = arith.muli %add3A, %mul3A_184 : i32
    %add3A_186 = arith.constant 640 : i32
    %add3A_187 = arith.addi %mul3A_185, %add3A_186 : i32
    %run_scoped3A_188 = arith.constant 5 : i32
    "tpu.region"() ({
      %run_scoped3A_400 = tpu.sem_alloc : memref<!tpu.dma_semaphore, #tpu.memory_space<semaphore_mem>>
      %dma_start3A_401 = arith.constant 0 : i32
      %dma_start3A_402 = tpu.memref_slice %arg6[%run_scoped3A_188, %dma_start3A_401] : memref<16x128xi32, #tpu.memory_space<vmem>> -> memref<1x128xi32, #tpu.memory_space<vmem>>
      %dma_start3A_403 = tpu.memref_squeeze %dma_start3A_402 : memref<1x128xi32, #tpu.memory_space<vmem>> -> memref<128xi32, #tpu.memory_space<vmem>>
      %dma_start3A_404 = tpu.memref_slice %arg5[%add3A_187] : memref<65536xi32, #tpu.memory_space<hbm>> -> memref<128xi32, #tpu.memory_space<hbm>>
      %dma_start3A_405 = tpu.memref_slice %arg5[%add3A_187] : memref<65536xi32, #tpu.memory_space<hbm>> -> memref<128xi32, #tpu.memory_space<hbm>>
      %dma_start3A_406 = arith.constant 0 : i32
      %dma_start3A_407 = tpu.memref_slice %arg6[%run_scoped3A_188, %dma_start3A_406] : memref<16x128xi32, #tpu.memory_space<vmem>> -> memref<1x128xi32, #tpu.memory_space<vmem>>
      %dma_start3A_408 = tpu.memref_squeeze %dma_start3A_407 : memref<1x128xi32, #tpu.memory_space<vmem>> -> memref<128xi32, #tpu.memory_space<vmem>>
      tpu.enqueue_dma source(%dma_start3A_408 : memref<128xi32, #tpu.memory_space<vmem>>) target(%dma_start3A_405 : memref<128xi32, #tpu.memory_space<hbm>>) target_semaphore(%run_scoped3A_400 : memref<!tpu.dma_semaphore, #tpu.memory_space<semaphore_mem>>)
      %dma_wait3A_409 = arith.constant 0 : i32
      %dma_wait3A_410 = tpu.memref_slice %arg6[%run_scoped3A_188, %dma_wait3A_409] : memref<16x128xi32, #tpu.memory_space<vmem>> -> memref<1x128xi32, #tpu.memory_space<vmem>>
      %dma_wait3A_411 = tpu.memref_squeeze %dma_wait3A_410 : memref<1x128xi32, #tpu.memory_space<vmem>> -> memref<128xi32, #tpu.memory_space<vmem>>
      %dma_wait3A_412 = tpu.memref_slice %arg5[%add3A_187] : memref<65536xi32, #tpu.memory_space<hbm>> -> memref<128xi32, #tpu.memory_space<hbm>>
      %dma_wait3A_413 = tpu.memref_slice %arg5[%add3A_187] : memref<65536xi32, #tpu.memory_space<hbm>> -> memref<128xi32, #tpu.memory_space<hbm>>
      %dma_wait3A_414 = arith.constant 0 : i32
      %dma_wait3A_415 = tpu.memref_slice %arg6[%run_scoped3A_188, %dma_wait3A_414] : memref<16x128xi32, #tpu.memory_space<vmem>> -> memref<1x128xi32, #tpu.memory_space<vmem>>
      %dma_wait3A_416 = tpu.memref_squeeze %dma_wait3A_415 : memref<1x128xi32, #tpu.memory_space<vmem>> -> memref<128xi32, #tpu.memory_space<vmem>>
      tpu.wait_dma2 semaphore(%run_scoped3A_400 : memref<!tpu.dma_semaphore, #tpu.memory_space<semaphore_mem>>) src(%dma_wait3A_416 : memref<128xi32, #tpu.memory_space<vmem>>) dst(%dma_wait3A_413 : memref<128xi32, #tpu.memory_space<hbm>>)
      tpu.yield
    }) : () -> ()
    %mul3A_189 = arith.constant 2048 : i32
    %mul3A_190 = arith.muli %add3A, %mul3A_189 : i32
    %add3A_191 = arith.constant 768 : i32
    %add3A_192 = arith.addi %mul3A_190, %add3A_191 : i32
    %run_scoped3A_193 = arith.constant 6 : i32
    "tpu.region"() ({
      %run_scoped3A_400 = tpu.sem_alloc : memref<!tpu.dma_semaphore, #tpu.memory_space<semaphore_mem>>
      %dma_start3A_401 = arith.constant 0 : i32
      %dma_start3A_402 = tpu.memref_slice %arg6[%run_scoped3A_193, %dma_start3A_401] : memref<16x128xi32, #tpu.memory_space<vmem>> -> memref<1x128xi32, #tpu.memory_space<vmem>>
      %dma_start3A_403 = tpu.memref_squeeze %dma_start3A_402 : memref<1x128xi32, #tpu.memory_space<vmem>> -> memref<128xi32, #tpu.memory_space<vmem>>
      %dma_start3A_404 = tpu.memref_slice %arg5[%add3A_192] : memref<65536xi32, #tpu.memory_space<hbm>> -> memref<128xi32, #tpu.memory_space<hbm>>
      %dma_start3A_405 = tpu.memref_slice %arg5[%add3A_192] : memref<65536xi32, #tpu.memory_space<hbm>> -> memref<128xi32, #tpu.memory_space<hbm>>
      %dma_start3A_406 = arith.constant 0 : i32
      %dma_start3A_407 = tpu.memref_slice %arg6[%run_scoped3A_193, %dma_start3A_406] : memref<16x128xi32, #tpu.memory_space<vmem>> -> memref<1x128xi32, #tpu.memory_space<vmem>>
      %dma_start3A_408 = tpu.memref_squeeze %dma_start3A_407 : memref<1x128xi32, #tpu.memory_space<vmem>> -> memref<128xi32, #tpu.memory_space<vmem>>
      tpu.enqueue_dma source(%dma_start3A_408 : memref<128xi32, #tpu.memory_space<vmem>>) target(%dma_start3A_405 : memref<128xi32, #tpu.memory_space<hbm>>) target_semaphore(%run_scoped3A_400 : memref<!tpu.dma_semaphore, #tpu.memory_space<semaphore_mem>>)
      %dma_wait3A_409 = arith.constant 0 : i32
      %dma_wait3A_410 = tpu.memref_slice %arg6[%run_scoped3A_193, %dma_wait3A_409] : memref<16x128xi32, #tpu.memory_space<vmem>> -> memref<1x128xi32, #tpu.memory_space<vmem>>
      %dma_wait3A_411 = tpu.memref_squeeze %dma_wait3A_410 : memref<1x128xi32, #tpu.memory_space<vmem>> -> memref<128xi32, #tpu.memory_space<vmem>>
      %dma_wait3A_412 = tpu.memref_slice %arg5[%add3A_192] : memref<65536xi32, #tpu.memory_space<hbm>> -> memref<128xi32, #tpu.memory_space<hbm>>
      %dma_wait3A_413 = tpu.memref_slice %arg5[%add3A_192] : memref<65536xi32, #tpu.memory_space<hbm>> -> memref<128xi32, #tpu.memory_space<hbm>>
      %dma_wait3A_414 = arith.constant 0 : i32
      %dma_wait3A_415 = tpu.memref_slice %arg6[%run_scoped3A_193, %dma_wait3A_414] : memref<16x128xi32, #tpu.memory_space<vmem>> -> memref<1x128xi32, #tpu.memory_space<vmem>>
      %dma_wait3A_416 = tpu.memref_squeeze %dma_wait3A_415 : memref<1x128xi32, #tpu.memory_space<vmem>> -> memref<128xi32, #tpu.memory_space<vmem>>
      tpu.wait_dma2 semaphore(%run_scoped3A_400 : memref<!tpu.dma_semaphore, #tpu.memory_space<semaphore_mem>>) src(%dma_wait3A_416 : memref<128xi32, #tpu.memory_space<vmem>>) dst(%dma_wait3A_413 : memref<128xi32, #tpu.memory_space<hbm>>)
      tpu.yield
    }) : () -> ()
    %mul3A_194 = arith.constant 2048 : i32
    %mul3A_195 = arith.muli %add3A, %mul3A_194 : i32
    %add3A_196 = arith.constant 896 : i32
    %add3A_197 = arith.addi %mul3A_195, %add3A_196 : i32
    %run_scoped3A_198 = arith.constant 7 : i32
    "tpu.region"() ({
      %run_scoped3A_400 = tpu.sem_alloc : memref<!tpu.dma_semaphore, #tpu.memory_space<semaphore_mem>>
      %dma_start3A_401 = arith.constant 0 : i32
      %dma_start3A_402 = tpu.memref_slice %arg6[%run_scoped3A_198, %dma_start3A_401] : memref<16x128xi32, #tpu.memory_space<vmem>> -> memref<1x128xi32, #tpu.memory_space<vmem>>
      %dma_start3A_403 = tpu.memref_squeeze %dma_start3A_402 : memref<1x128xi32, #tpu.memory_space<vmem>> -> memref<128xi32, #tpu.memory_space<vmem>>
      %dma_start3A_404 = tpu.memref_slice %arg5[%add3A_197] : memref<65536xi32, #tpu.memory_space<hbm>> -> memref<128xi32, #tpu.memory_space<hbm>>
      %dma_start3A_405 = tpu.memref_slice %arg5[%add3A_197] : memref<65536xi32, #tpu.memory_space<hbm>> -> memref<128xi32, #tpu.memory_space<hbm>>
      %dma_start3A_406 = arith.constant 0 : i32
      %dma_start3A_407 = tpu.memref_slice %arg6[%run_scoped3A_198, %dma_start3A_406] : memref<16x128xi32, #tpu.memory_space<vmem>> -> memref<1x128xi32, #tpu.memory_space<vmem>>
      %dma_start3A_408 = tpu.memref_squeeze %dma_start3A_407 : memref<1x128xi32, #tpu.memory_space<vmem>> -> memref<128xi32, #tpu.memory_space<vmem>>
      tpu.enqueue_dma source(%dma_start3A_408 : memref<128xi32, #tpu.memory_space<vmem>>) target(%dma_start3A_405 : memref<128xi32, #tpu.memory_space<hbm>>) target_semaphore(%run_scoped3A_400 : memref<!tpu.dma_semaphore, #tpu.memory_space<semaphore_mem>>)
      %dma_wait3A_409 = arith.constant 0 : i32
      %dma_wait3A_410 = tpu.memref_slice %arg6[%run_scoped3A_198, %dma_wait3A_409] : memref<16x128xi32, #tpu.memory_space<vmem>> -> memref<1x128xi32, #tpu.memory_space<vmem>>
      %dma_wait3A_411 = tpu.memref_squeeze %dma_wait3A_410 : memref<1x128xi32, #tpu.memory_space<vmem>> -> memref<128xi32, #tpu.memory_space<vmem>>
      %dma_wait3A_412 = tpu.memref_slice %arg5[%add3A_197] : memref<65536xi32, #tpu.memory_space<hbm>> -> memref<128xi32, #tpu.memory_space<hbm>>
      %dma_wait3A_413 = tpu.memref_slice %arg5[%add3A_197] : memref<65536xi32, #tpu.memory_space<hbm>> -> memref<128xi32, #tpu.memory_space<hbm>>
      %dma_wait3A_414 = arith.constant 0 : i32
      %dma_wait3A_415 = tpu.memref_slice %arg6[%run_scoped3A_198, %dma_wait3A_414] : memref<16x128xi32, #tpu.memory_space<vmem>> -> memref<1x128xi32, #tpu.memory_space<vmem>>
      %dma_wait3A_416 = tpu.memref_squeeze %dma_wait3A_415 : memref<1x128xi32, #tpu.memory_space<vmem>> -> memref<128xi32, #tpu.memory_space<vmem>>
      tpu.wait_dma2 semaphore(%run_scoped3A_400 : memref<!tpu.dma_semaphore, #tpu.memory_space<semaphore_mem>>) src(%dma_wait3A_416 : memref<128xi32, #tpu.memory_space<vmem>>) dst(%dma_wait3A_413 : memref<128xi32, #tpu.memory_space<hbm>>)
      tpu.yield
    }) : () -> ()
    %mul3A_199 = arith.constant 2048 : i32
    %mul3A_200 = arith.muli %add3A, %mul3A_199 : i32
    %add3A_201 = arith.constant 1024 : i32
    %add3A_202 = arith.addi %mul3A_200, %add3A_201 : i32
    %run_scoped3A_203 = arith.constant 8 : i32
    "tpu.region"() ({
      %run_scoped3A_400 = tpu.sem_alloc : memref<!tpu.dma_semaphore, #tpu.memory_space<semaphore_mem>>
      %dma_start3A_401 = arith.constant 0 : i32
      %dma_start3A_402 = tpu.memref_slice %arg6[%run_scoped3A_203, %dma_start3A_401] : memref<16x128xi32, #tpu.memory_space<vmem>> -> memref<1x128xi32, #tpu.memory_space<vmem>>
      %dma_start3A_403 = tpu.memref_squeeze %dma_start3A_402 : memref<1x128xi32, #tpu.memory_space<vmem>> -> memref<128xi32, #tpu.memory_space<vmem>>
      %dma_start3A_404 = tpu.memref_slice %arg5[%add3A_202] : memref<65536xi32, #tpu.memory_space<hbm>> -> memref<128xi32, #tpu.memory_space<hbm>>
      %dma_start3A_405 = tpu.memref_slice %arg5[%add3A_202] : memref<65536xi32, #tpu.memory_space<hbm>> -> memref<128xi32, #tpu.memory_space<hbm>>
      %dma_start3A_406 = arith.constant 0 : i32
      %dma_start3A_407 = tpu.memref_slice %arg6[%run_scoped3A_203, %dma_start3A_406] : memref<16x128xi32, #tpu.memory_space<vmem>> -> memref<1x128xi32, #tpu.memory_space<vmem>>
      %dma_start3A_408 = tpu.memref_squeeze %dma_start3A_407 : memref<1x128xi32, #tpu.memory_space<vmem>> -> memref<128xi32, #tpu.memory_space<vmem>>
      tpu.enqueue_dma source(%dma_start3A_408 : memref<128xi32, #tpu.memory_space<vmem>>) target(%dma_start3A_405 : memref<128xi32, #tpu.memory_space<hbm>>) target_semaphore(%run_scoped3A_400 : memref<!tpu.dma_semaphore, #tpu.memory_space<semaphore_mem>>)
      %dma_wait3A_409 = arith.constant 0 : i32
      %dma_wait3A_410 = tpu.memref_slice %arg6[%run_scoped3A_203, %dma_wait3A_409] : memref<16x128xi32, #tpu.memory_space<vmem>> -> memref<1x128xi32, #tpu.memory_space<vmem>>
      %dma_wait3A_411 = tpu.memref_squeeze %dma_wait3A_410 : memref<1x128xi32, #tpu.memory_space<vmem>> -> memref<128xi32, #tpu.memory_space<vmem>>
      %dma_wait3A_412 = tpu.memref_slice %arg5[%add3A_202] : memref<65536xi32, #tpu.memory_space<hbm>> -> memref<128xi32, #tpu.memory_space<hbm>>
      %dma_wait3A_413 = tpu.memref_slice %arg5[%add3A_202] : memref<65536xi32, #tpu.memory_space<hbm>> -> memref<128xi32, #tpu.memory_space<hbm>>
      %dma_wait3A_414 = arith.constant 0 : i32
      %dma_wait3A_415 = tpu.memref_slice %arg6[%run_scoped3A_203, %dma_wait3A_414] : memref<16x128xi32, #tpu.memory_space<vmem>> -> memref<1x128xi32, #tpu.memory_space<vmem>>
      %dma_wait3A_416 = tpu.memref_squeeze %dma_wait3A_415 : memref<1x128xi32, #tpu.memory_space<vmem>> -> memref<128xi32, #tpu.memory_space<vmem>>
      tpu.wait_dma2 semaphore(%run_scoped3A_400 : memref<!tpu.dma_semaphore, #tpu.memory_space<semaphore_mem>>) src(%dma_wait3A_416 : memref<128xi32, #tpu.memory_space<vmem>>) dst(%dma_wait3A_413 : memref<128xi32, #tpu.memory_space<hbm>>)
      tpu.yield
    }) : () -> ()
    %mul3A_204 = arith.constant 2048 : i32
    %mul3A_205 = arith.muli %add3A, %mul3A_204 : i32
    %add3A_206 = arith.constant 1152 : i32
    %add3A_207 = arith.addi %mul3A_205, %add3A_206 : i32
    %run_scoped3A_208 = arith.constant 9 : i32
    "tpu.region"() ({
      %run_scoped3A_400 = tpu.sem_alloc : memref<!tpu.dma_semaphore, #tpu.memory_space<semaphore_mem>>
      %dma_start3A_401 = arith.constant 0 : i32
      %dma_start3A_402 = tpu.memref_slice %arg6[%run_scoped3A_208, %dma_start3A_401] : memref<16x128xi32, #tpu.memory_space<vmem>> -> memref<1x128xi32, #tpu.memory_space<vmem>>
      %dma_start3A_403 = tpu.memref_squeeze %dma_start3A_402 : memref<1x128xi32, #tpu.memory_space<vmem>> -> memref<128xi32, #tpu.memory_space<vmem>>
      %dma_start3A_404 = tpu.memref_slice %arg5[%add3A_207] : memref<65536xi32, #tpu.memory_space<hbm>> -> memref<128xi32, #tpu.memory_space<hbm>>
      %dma_start3A_405 = tpu.memref_slice %arg5[%add3A_207] : memref<65536xi32, #tpu.memory_space<hbm>> -> memref<128xi32, #tpu.memory_space<hbm>>
      %dma_start3A_406 = arith.constant 0 : i32
      %dma_start3A_407 = tpu.memref_slice %arg6[%run_scoped3A_208, %dma_start3A_406] : memref<16x128xi32, #tpu.memory_space<vmem>> -> memref<1x128xi32, #tpu.memory_space<vmem>>
      %dma_start3A_408 = tpu.memref_squeeze %dma_start3A_407 : memref<1x128xi32, #tpu.memory_space<vmem>> -> memref<128xi32, #tpu.memory_space<vmem>>
      tpu.enqueue_dma source(%dma_start3A_408 : memref<128xi32, #tpu.memory_space<vmem>>) target(%dma_start3A_405 : memref<128xi32, #tpu.memory_space<hbm>>) target_semaphore(%run_scoped3A_400 : memref<!tpu.dma_semaphore, #tpu.memory_space<semaphore_mem>>)
      %dma_wait3A_409 = arith.constant 0 : i32
      %dma_wait3A_410 = tpu.memref_slice %arg6[%run_scoped3A_208, %dma_wait3A_409] : memref<16x128xi32, #tpu.memory_space<vmem>> -> memref<1x128xi32, #tpu.memory_space<vmem>>
      %dma_wait3A_411 = tpu.memref_squeeze %dma_wait3A_410 : memref<1x128xi32, #tpu.memory_space<vmem>> -> memref<128xi32, #tpu.memory_space<vmem>>
      %dma_wait3A_412 = tpu.memref_slice %arg5[%add3A_207] : memref<65536xi32, #tpu.memory_space<hbm>> -> memref<128xi32, #tpu.memory_space<hbm>>
      %dma_wait3A_413 = tpu.memref_slice %arg5[%add3A_207] : memref<65536xi32, #tpu.memory_space<hbm>> -> memref<128xi32, #tpu.memory_space<hbm>>
      %dma_wait3A_414 = arith.constant 0 : i32
      %dma_wait3A_415 = tpu.memref_slice %arg6[%run_scoped3A_208, %dma_wait3A_414] : memref<16x128xi32, #tpu.memory_space<vmem>> -> memref<1x128xi32, #tpu.memory_space<vmem>>
      %dma_wait3A_416 = tpu.memref_squeeze %dma_wait3A_415 : memref<1x128xi32, #tpu.memory_space<vmem>> -> memref<128xi32, #tpu.memory_space<vmem>>
      tpu.wait_dma2 semaphore(%run_scoped3A_400 : memref<!tpu.dma_semaphore, #tpu.memory_space<semaphore_mem>>) src(%dma_wait3A_416 : memref<128xi32, #tpu.memory_space<vmem>>) dst(%dma_wait3A_413 : memref<128xi32, #tpu.memory_space<hbm>>)
      tpu.yield
    }) : () -> ()
    %mul3A_209 = arith.constant 2048 : i32
    %mul3A_210 = arith.muli %add3A, %mul3A_209 : i32
    %add3A_211 = arith.constant 1280 : i32
    %add3A_212 = arith.addi %mul3A_210, %add3A_211 : i32
    %run_scoped3A_213 = arith.constant 10 : i32
    "tpu.region"() ({
      %run_scoped3A_400 = tpu.sem_alloc : memref<!tpu.dma_semaphore, #tpu.memory_space<semaphore_mem>>
      %dma_start3A_401 = arith.constant 0 : i32
      %dma_start3A_402 = tpu.memref_slice %arg6[%run_scoped3A_213, %dma_start3A_401] : memref<16x128xi32, #tpu.memory_space<vmem>> -> memref<1x128xi32, #tpu.memory_space<vmem>>
      %dma_start3A_403 = tpu.memref_squeeze %dma_start3A_402 : memref<1x128xi32, #tpu.memory_space<vmem>> -> memref<128xi32, #tpu.memory_space<vmem>>
      %dma_start3A_404 = tpu.memref_slice %arg5[%add3A_212] : memref<65536xi32, #tpu.memory_space<hbm>> -> memref<128xi32, #tpu.memory_space<hbm>>
      %dma_start3A_405 = tpu.memref_slice %arg5[%add3A_212] : memref<65536xi32, #tpu.memory_space<hbm>> -> memref<128xi32, #tpu.memory_space<hbm>>
      %dma_start3A_406 = arith.constant 0 : i32
      %dma_start3A_407 = tpu.memref_slice %arg6[%run_scoped3A_213, %dma_start3A_406] : memref<16x128xi32, #tpu.memory_space<vmem>> -> memref<1x128xi32, #tpu.memory_space<vmem>>
      %dma_start3A_408 = tpu.memref_squeeze %dma_start3A_407 : memref<1x128xi32, #tpu.memory_space<vmem>> -> memref<128xi32, #tpu.memory_space<vmem>>
      tpu.enqueue_dma source(%dma_start3A_408 : memref<128xi32, #tpu.memory_space<vmem>>) target(%dma_start3A_405 : memref<128xi32, #tpu.memory_space<hbm>>) target_semaphore(%run_scoped3A_400 : memref<!tpu.dma_semaphore, #tpu.memory_space<semaphore_mem>>)
      %dma_wait3A_409 = arith.constant 0 : i32
      %dma_wait3A_410 = tpu.memref_slice %arg6[%run_scoped3A_213, %dma_wait3A_409] : memref<16x128xi32, #tpu.memory_space<vmem>> -> memref<1x128xi32, #tpu.memory_space<vmem>>
      %dma_wait3A_411 = tpu.memref_squeeze %dma_wait3A_410 : memref<1x128xi32, #tpu.memory_space<vmem>> -> memref<128xi32, #tpu.memory_space<vmem>>
      %dma_wait3A_412 = tpu.memref_slice %arg5[%add3A_212] : memref<65536xi32, #tpu.memory_space<hbm>> -> memref<128xi32, #tpu.memory_space<hbm>>
      %dma_wait3A_413 = tpu.memref_slice %arg5[%add3A_212] : memref<65536xi32, #tpu.memory_space<hbm>> -> memref<128xi32, #tpu.memory_space<hbm>>
      %dma_wait3A_414 = arith.constant 0 : i32
      %dma_wait3A_415 = tpu.memref_slice %arg6[%run_scoped3A_213, %dma_wait3A_414] : memref<16x128xi32, #tpu.memory_space<vmem>> -> memref<1x128xi32, #tpu.memory_space<vmem>>
      %dma_wait3A_416 = tpu.memref_squeeze %dma_wait3A_415 : memref<1x128xi32, #tpu.memory_space<vmem>> -> memref<128xi32, #tpu.memory_space<vmem>>
      tpu.wait_dma2 semaphore(%run_scoped3A_400 : memref<!tpu.dma_semaphore, #tpu.memory_space<semaphore_mem>>) src(%dma_wait3A_416 : memref<128xi32, #tpu.memory_space<vmem>>) dst(%dma_wait3A_413 : memref<128xi32, #tpu.memory_space<hbm>>)
      tpu.yield
    }) : () -> ()
    %mul3A_214 = arith.constant 2048 : i32
    %mul3A_215 = arith.muli %add3A, %mul3A_214 : i32
    %add3A_216 = arith.constant 1408 : i32
    %add3A_217 = arith.addi %mul3A_215, %add3A_216 : i32
    %run_scoped3A_218 = arith.constant 11 : i32
    "tpu.region"() ({
      %run_scoped3A_400 = tpu.sem_alloc : memref<!tpu.dma_semaphore, #tpu.memory_space<semaphore_mem>>
      %dma_start3A_401 = arith.constant 0 : i32
      %dma_start3A_402 = tpu.memref_slice %arg6[%run_scoped3A_218, %dma_start3A_401] : memref<16x128xi32, #tpu.memory_space<vmem>> -> memref<1x128xi32, #tpu.memory_space<vmem>>
      %dma_start3A_403 = tpu.memref_squeeze %dma_start3A_402 : memref<1x128xi32, #tpu.memory_space<vmem>> -> memref<128xi32, #tpu.memory_space<vmem>>
      %dma_start3A_404 = tpu.memref_slice %arg5[%add3A_217] : memref<65536xi32, #tpu.memory_space<hbm>> -> memref<128xi32, #tpu.memory_space<hbm>>
      %dma_start3A_405 = tpu.memref_slice %arg5[%add3A_217] : memref<65536xi32, #tpu.memory_space<hbm>> -> memref<128xi32, #tpu.memory_space<hbm>>
      %dma_start3A_406 = arith.constant 0 : i32
      %dma_start3A_407 = tpu.memref_slice %arg6[%run_scoped3A_218, %dma_start3A_406] : memref<16x128xi32, #tpu.memory_space<vmem>> -> memref<1x128xi32, #tpu.memory_space<vmem>>
      %dma_start3A_408 = tpu.memref_squeeze %dma_start3A_407 : memref<1x128xi32, #tpu.memory_space<vmem>> -> memref<128xi32, #tpu.memory_space<vmem>>
      tpu.enqueue_dma source(%dma_start3A_408 : memref<128xi32, #tpu.memory_space<vmem>>) target(%dma_start3A_405 : memref<128xi32, #tpu.memory_space<hbm>>) target_semaphore(%run_scoped3A_400 : memref<!tpu.dma_semaphore, #tpu.memory_space<semaphore_mem>>)
      %dma_wait3A_409 = arith.constant 0 : i32
      %dma_wait3A_410 = tpu.memref_slice %arg6[%run_scoped3A_218, %dma_wait3A_409] : memref<16x128xi32, #tpu.memory_space<vmem>> -> memref<1x128xi32, #tpu.memory_space<vmem>>
      %dma_wait3A_411 = tpu.memref_squeeze %dma_wait3A_410 : memref<1x128xi32, #tpu.memory_space<vmem>> -> memref<128xi32, #tpu.memory_space<vmem>>
      %dma_wait3A_412 = tpu.memref_slice %arg5[%add3A_217] : memref<65536xi32, #tpu.memory_space<hbm>> -> memref<128xi32, #tpu.memory_space<hbm>>
      %dma_wait3A_413 = tpu.memref_slice %arg5[%add3A_217] : memref<65536xi32, #tpu.memory_space<hbm>> -> memref<128xi32, #tpu.memory_space<hbm>>
      %dma_wait3A_414 = arith.constant 0 : i32
      %dma_wait3A_415 = tpu.memref_slice %arg6[%run_scoped3A_218, %dma_wait3A_414] : memref<16x128xi32, #tpu.memory_space<vmem>> -> memref<1x128xi32, #tpu.memory_space<vmem>>
      %dma_wait3A_416 = tpu.memref_squeeze %dma_wait3A_415 : memref<1x128xi32, #tpu.memory_space<vmem>> -> memref<128xi32, #tpu.memory_space<vmem>>
      tpu.wait_dma2 semaphore(%run_scoped3A_400 : memref<!tpu.dma_semaphore, #tpu.memory_space<semaphore_mem>>) src(%dma_wait3A_416 : memref<128xi32, #tpu.memory_space<vmem>>) dst(%dma_wait3A_413 : memref<128xi32, #tpu.memory_space<hbm>>)
      tpu.yield
    }) : () -> ()
    %mul3A_219 = arith.constant 2048 : i32
    %mul3A_220 = arith.muli %add3A, %mul3A_219 : i32
    %add3A_221 = arith.constant 1536 : i32
    %add3A_222 = arith.addi %mul3A_220, %add3A_221 : i32
    %run_scoped3A_223 = arith.constant 12 : i32
    "tpu.region"() ({
      %run_scoped3A_400 = tpu.sem_alloc : memref<!tpu.dma_semaphore, #tpu.memory_space<semaphore_mem>>
      %dma_start3A_401 = arith.constant 0 : i32
      %dma_start3A_402 = tpu.memref_slice %arg6[%run_scoped3A_223, %dma_start3A_401] : memref<16x128xi32, #tpu.memory_space<vmem>> -> memref<1x128xi32, #tpu.memory_space<vmem>>
      %dma_start3A_403 = tpu.memref_squeeze %dma_start3A_402 : memref<1x128xi32, #tpu.memory_space<vmem>> -> memref<128xi32, #tpu.memory_space<vmem>>
      %dma_start3A_404 = tpu.memref_slice %arg5[%add3A_222] : memref<65536xi32, #tpu.memory_space<hbm>> -> memref<128xi32, #tpu.memory_space<hbm>>
      %dma_start3A_405 = tpu.memref_slice %arg5[%add3A_222] : memref<65536xi32, #tpu.memory_space<hbm>> -> memref<128xi32, #tpu.memory_space<hbm>>
      %dma_start3A_406 = arith.constant 0 : i32
      %dma_start3A_407 = tpu.memref_slice %arg6[%run_scoped3A_223, %dma_start3A_406] : memref<16x128xi32, #tpu.memory_space<vmem>> -> memref<1x128xi32, #tpu.memory_space<vmem>>
      %dma_start3A_408 = tpu.memref_squeeze %dma_start3A_407 : memref<1x128xi32, #tpu.memory_space<vmem>> -> memref<128xi32, #tpu.memory_space<vmem>>
      tpu.enqueue_dma source(%dma_start3A_408 : memref<128xi32, #tpu.memory_space<vmem>>) target(%dma_start3A_405 : memref<128xi32, #tpu.memory_space<hbm>>) target_semaphore(%run_scoped3A_400 : memref<!tpu.dma_semaphore, #tpu.memory_space<semaphore_mem>>)
      %dma_wait3A_409 = arith.constant 0 : i32
      %dma_wait3A_410 = tpu.memref_slice %arg6[%run_scoped3A_223, %dma_wait3A_409] : memref<16x128xi32, #tpu.memory_space<vmem>> -> memref<1x128xi32, #tpu.memory_space<vmem>>
      %dma_wait3A_411 = tpu.memref_squeeze %dma_wait3A_410 : memref<1x128xi32, #tpu.memory_space<vmem>> -> memref<128xi32, #tpu.memory_space<vmem>>
      %dma_wait3A_412 = tpu.memref_slice %arg5[%add3A_222] : memref<65536xi32, #tpu.memory_space<hbm>> -> memref<128xi32, #tpu.memory_space<hbm>>
      %dma_wait3A_413 = tpu.memref_slice %arg5[%add3A_222] : memref<65536xi32, #tpu.memory_space<hbm>> -> memref<128xi32, #tpu.memory_space<hbm>>
      %dma_wait3A_414 = arith.constant 0 : i32
      %dma_wait3A_415 = tpu.memref_slice %arg6[%run_scoped3A_223, %dma_wait3A_414] : memref<16x128xi32, #tpu.memory_space<vmem>> -> memref<1x128xi32, #tpu.memory_space<vmem>>
      %dma_wait3A_416 = tpu.memref_squeeze %dma_wait3A_415 : memref<1x128xi32, #tpu.memory_space<vmem>> -> memref<128xi32, #tpu.memory_space<vmem>>
      tpu.wait_dma2 semaphore(%run_scoped3A_400 : memref<!tpu.dma_semaphore, #tpu.memory_space<semaphore_mem>>) src(%dma_wait3A_416 : memref<128xi32, #tpu.memory_space<vmem>>) dst(%dma_wait3A_413 : memref<128xi32, #tpu.memory_space<hbm>>)
      tpu.yield
    }) : () -> ()
    %mul3A_224 = arith.constant 2048 : i32
    %mul3A_225 = arith.muli %add3A, %mul3A_224 : i32
    %add3A_226 = arith.constant 1664 : i32
    %add3A_227 = arith.addi %mul3A_225, %add3A_226 : i32
    %run_scoped3A_228 = arith.constant 13 : i32
    "tpu.region"() ({
      %run_scoped3A_400 = tpu.sem_alloc : memref<!tpu.dma_semaphore, #tpu.memory_space<semaphore_mem>>
      %dma_start3A_401 = arith.constant 0 : i32
      %dma_start3A_402 = tpu.memref_slice %arg6[%run_scoped3A_228, %dma_start3A_401] : memref<16x128xi32, #tpu.memory_space<vmem>> -> memref<1x128xi32, #tpu.memory_space<vmem>>
      %dma_start3A_403 = tpu.memref_squeeze %dma_start3A_402 : memref<1x128xi32, #tpu.memory_space<vmem>> -> memref<128xi32, #tpu.memory_space<vmem>>
      %dma_start3A_404 = tpu.memref_slice %arg5[%add3A_227] : memref<65536xi32, #tpu.memory_space<hbm>> -> memref<128xi32, #tpu.memory_space<hbm>>
      %dma_start3A_405 = tpu.memref_slice %arg5[%add3A_227] : memref<65536xi32, #tpu.memory_space<hbm>> -> memref<128xi32, #tpu.memory_space<hbm>>
      %dma_start3A_406 = arith.constant 0 : i32
      %dma_start3A_407 = tpu.memref_slice %arg6[%run_scoped3A_228, %dma_start3A_406] : memref<16x128xi32, #tpu.memory_space<vmem>> -> memref<1x128xi32, #tpu.memory_space<vmem>>
      %dma_start3A_408 = tpu.memref_squeeze %dma_start3A_407 : memref<1x128xi32, #tpu.memory_space<vmem>> -> memref<128xi32, #tpu.memory_space<vmem>>
      tpu.enqueue_dma source(%dma_start3A_408 : memref<128xi32, #tpu.memory_space<vmem>>) target(%dma_start3A_405 : memref<128xi32, #tpu.memory_space<hbm>>) target_semaphore(%run_scoped3A_400 : memref<!tpu.dma_semaphore, #tpu.memory_space<semaphore_mem>>)
      %dma_wait3A_409 = arith.constant 0 : i32
      %dma_wait3A_410 = tpu.memref_slice %arg6[%run_scoped3A_228, %dma_wait3A_409] : memref<16x128xi32, #tpu.memory_space<vmem>> -> memref<1x128xi32, #tpu.memory_space<vmem>>
      %dma_wait3A_411 = tpu.memref_squeeze %dma_wait3A_410 : memref<1x128xi32, #tpu.memory_space<vmem>> -> memref<128xi32, #tpu.memory_space<vmem>>
      %dma_wait3A_412 = tpu.memref_slice %arg5[%add3A_227] : memref<65536xi32, #tpu.memory_space<hbm>> -> memref<128xi32, #tpu.memory_space<hbm>>
      %dma_wait3A_413 = tpu.memref_slice %arg5[%add3A_227] : memref<65536xi32, #tpu.memory_space<hbm>> -> memref<128xi32, #tpu.memory_space<hbm>>
      %dma_wait3A_414 = arith.constant 0 : i32
      %dma_wait3A_415 = tpu.memref_slice %arg6[%run_scoped3A_228, %dma_wait3A_414] : memref<16x128xi32, #tpu.memory_space<vmem>> -> memref<1x128xi32, #tpu.memory_space<vmem>>
      %dma_wait3A_416 = tpu.memref_squeeze %dma_wait3A_415 : memref<1x128xi32, #tpu.memory_space<vmem>> -> memref<128xi32, #tpu.memory_space<vmem>>
      tpu.wait_dma2 semaphore(%run_scoped3A_400 : memref<!tpu.dma_semaphore, #tpu.memory_space<semaphore_mem>>) src(%dma_wait3A_416 : memref<128xi32, #tpu.memory_space<vmem>>) dst(%dma_wait3A_413 : memref<128xi32, #tpu.memory_space<hbm>>)
      tpu.yield
    }) : () -> ()
    %mul3A_229 = arith.constant 2048 : i32
    %mul3A_230 = arith.muli %add3A, %mul3A_229 : i32
    %add3A_231 = arith.constant 1792 : i32
    %add3A_232 = arith.addi %mul3A_230, %add3A_231 : i32
    %run_scoped3A_233 = arith.constant 14 : i32
    "tpu.region"() ({
      %run_scoped3A_400 = tpu.sem_alloc : memref<!tpu.dma_semaphore, #tpu.memory_space<semaphore_mem>>
      %dma_start3A_401 = arith.constant 0 : i32
      %dma_start3A_402 = tpu.memref_slice %arg6[%run_scoped3A_233, %dma_start3A_401] : memref<16x128xi32, #tpu.memory_space<vmem>> -> memref<1x128xi32, #tpu.memory_space<vmem>>
      %dma_start3A_403 = tpu.memref_squeeze %dma_start3A_402 : memref<1x128xi32, #tpu.memory_space<vmem>> -> memref<128xi32, #tpu.memory_space<vmem>>
      %dma_start3A_404 = tpu.memref_slice %arg5[%add3A_232] : memref<65536xi32, #tpu.memory_space<hbm>> -> memref<128xi32, #tpu.memory_space<hbm>>
      %dma_start3A_405 = tpu.memref_slice %arg5[%add3A_232] : memref<65536xi32, #tpu.memory_space<hbm>> -> memref<128xi32, #tpu.memory_space<hbm>>
      %dma_start3A_406 = arith.constant 0 : i32
      %dma_start3A_407 = tpu.memref_slice %arg6[%run_scoped3A_233, %dma_start3A_406] : memref<16x128xi32, #tpu.memory_space<vmem>> -> memref<1x128xi32, #tpu.memory_space<vmem>>
      %dma_start3A_408 = tpu.memref_squeeze %dma_start3A_407 : memref<1x128xi32, #tpu.memory_space<vmem>> -> memref<128xi32, #tpu.memory_space<vmem>>
      tpu.enqueue_dma source(%dma_start3A_408 : memref<128xi32, #tpu.memory_space<vmem>>) target(%dma_start3A_405 : memref<128xi32, #tpu.memory_space<hbm>>) target_semaphore(%run_scoped3A_400 : memref<!tpu.dma_semaphore, #tpu.memory_space<semaphore_mem>>)
      %dma_wait3A_409 = arith.constant 0 : i32
      %dma_wait3A_410 = tpu.memref_slice %arg6[%run_scoped3A_233, %dma_wait3A_409] : memref<16x128xi32, #tpu.memory_space<vmem>> -> memref<1x128xi32, #tpu.memory_space<vmem>>
      %dma_wait3A_411 = tpu.memref_squeeze %dma_wait3A_410 : memref<1x128xi32, #tpu.memory_space<vmem>> -> memref<128xi32, #tpu.memory_space<vmem>>
      %dma_wait3A_412 = tpu.memref_slice %arg5[%add3A_232] : memref<65536xi32, #tpu.memory_space<hbm>> -> memref<128xi32, #tpu.memory_space<hbm>>
      %dma_wait3A_413 = tpu.memref_slice %arg5[%add3A_232] : memref<65536xi32, #tpu.memory_space<hbm>> -> memref<128xi32, #tpu.memory_space<hbm>>
      %dma_wait3A_414 = arith.constant 0 : i32
      %dma_wait3A_415 = tpu.memref_slice %arg6[%run_scoped3A_233, %dma_wait3A_414] : memref<16x128xi32, #tpu.memory_space<vmem>> -> memref<1x128xi32, #tpu.memory_space<vmem>>
      %dma_wait3A_416 = tpu.memref_squeeze %dma_wait3A_415 : memref<1x128xi32, #tpu.memory_space<vmem>> -> memref<128xi32, #tpu.memory_space<vmem>>
      tpu.wait_dma2 semaphore(%run_scoped3A_400 : memref<!tpu.dma_semaphore, #tpu.memory_space<semaphore_mem>>) src(%dma_wait3A_416 : memref<128xi32, #tpu.memory_space<vmem>>) dst(%dma_wait3A_413 : memref<128xi32, #tpu.memory_space<hbm>>)
      tpu.yield
    }) : () -> ()
    %mul3A_234 = arith.constant 2048 : i32
    %mul3A_235 = arith.muli %add3A, %mul3A_234 : i32
    %add3A_236 = arith.constant 1920 : i32
    %add3A_237 = arith.addi %mul3A_235, %add3A_236 : i32
    %run_scoped3A_238 = arith.constant 15 : i32
    "tpu.region"() ({
      %run_scoped3A_400 = tpu.sem_alloc : memref<!tpu.dma_semaphore, #tpu.memory_space<semaphore_mem>>
      %dma_start3A_401 = arith.constant 0 : i32
      %dma_start3A_402 = tpu.memref_slice %arg6[%run_scoped3A_238, %dma_start3A_401] : memref<16x128xi32, #tpu.memory_space<vmem>> -> memref<1x128xi32, #tpu.memory_space<vmem>>
      %dma_start3A_403 = tpu.memref_squeeze %dma_start3A_402 : memref<1x128xi32, #tpu.memory_space<vmem>> -> memref<128xi32, #tpu.memory_space<vmem>>
      %dma_start3A_404 = tpu.memref_slice %arg5[%add3A_237] : memref<65536xi32, #tpu.memory_space<hbm>> -> memref<128xi32, #tpu.memory_space<hbm>>
      %dma_start3A_405 = tpu.memref_slice %arg5[%add3A_237] : memref<65536xi32, #tpu.memory_space<hbm>> -> memref<128xi32, #tpu.memory_space<hbm>>
      %dma_start3A_406 = arith.constant 0 : i32
      %dma_start3A_407 = tpu.memref_slice %arg6[%run_scoped3A_238, %dma_start3A_406] : memref<16x128xi32, #tpu.memory_space<vmem>> -> memref<1x128xi32, #tpu.memory_space<vmem>>
      %dma_start3A_408 = tpu.memref_squeeze %dma_start3A_407 : memref<1x128xi32, #tpu.memory_space<vmem>> -> memref<128xi32, #tpu.memory_space<vmem>>
      tpu.enqueue_dma source(%dma_start3A_408 : memref<128xi32, #tpu.memory_space<vmem>>) target(%dma_start3A_405 : memref<128xi32, #tpu.memory_space<hbm>>) target_semaphore(%run_scoped3A_400 : memref<!tpu.dma_semaphore, #tpu.memory_space<semaphore_mem>>)
      %dma_wait3A_409 = arith.constant 0 : i32
      %dma_wait3A_410 = tpu.memref_slice %arg6[%run_scoped3A_238, %dma_wait3A_409] : memref<16x128xi32, #tpu.memory_space<vmem>> -> memref<1x128xi32, #tpu.memory_space<vmem>>
      %dma_wait3A_411 = tpu.memref_squeeze %dma_wait3A_410 : memref<1x128xi32, #tpu.memory_space<vmem>> -> memref<128xi32, #tpu.memory_space<vmem>>
      %dma_wait3A_412 = tpu.memref_slice %arg5[%add3A_237] : memref<65536xi32, #tpu.memory_space<hbm>> -> memref<128xi32, #tpu.memory_space<hbm>>
      %dma_wait3A_413 = tpu.memref_slice %arg5[%add3A_237] : memref<65536xi32, #tpu.memory_space<hbm>> -> memref<128xi32, #tpu.memory_space<hbm>>
      %dma_wait3A_414 = arith.constant 0 : i32
      %dma_wait3A_415 = tpu.memref_slice %arg6[%run_scoped3A_238, %dma_wait3A_414] : memref<16x128xi32, #tpu.memory_space<vmem>> -> memref<1x128xi32, #tpu.memory_space<vmem>>
      %dma_wait3A_416 = tpu.memref_squeeze %dma_wait3A_415 : memref<1x128xi32, #tpu.memory_space<vmem>> -> memref<128xi32, #tpu.memory_space<vmem>>
      tpu.wait_dma2 semaphore(%run_scoped3A_400 : memref<!tpu.dma_semaphore, #tpu.memory_space<semaphore_mem>>) src(%dma_wait3A_416 : memref<128xi32, #tpu.memory_space<vmem>>) dst(%dma_wait3A_413 : memref<128xi32, #tpu.memory_space<hbm>>)
      tpu.yield
    }) : () -> ()
    %dma_wait3A = arith.constant 0 : i32
    %dma_wait3A_239 = arith.constant 0 : i32
    %dma_wait3A_240 = arith.constant 0 : i32
    %dma_wait3A_241 = tpu.memref_slice %arg7[%dma_wait3A_239, %dma_wait3A_240] : memref<2048x32xf32, #tpu.memory_space<vmem>> -> memref<128x32xf32, #tpu.memory_space<vmem>>
    %dma_wait3A_242 = arith.constant 0 : i32
    %dma_wait3A_243 = tpu.memref_slice %arg6[%dma_wait3A, %dma_wait3A_242] : memref<16x128xi32, #tpu.memory_space<vmem>> -> memref<1x128xi32, #tpu.memory_space<vmem>>
    %dma_wait3A_244 = tpu.memref_squeeze %dma_wait3A_243 : memref<1x128xi32, #tpu.memory_space<vmem>> -> memref<128xi32, #tpu.memory_space<vmem>>
    %dma_wait3A_245 = arith.constant 0 : i32
    %dma_wait3A_246 = arith.constant 0 : i32
    %dma_wait3A_247 = tpu.memref_slice %arg2[%dma_wait3A_245, %dma_wait3A_246] : memref<512x32xf32, #tpu.memory_space<hbm>> -> memref<512x32xf32, #tpu.memory_space<hbm>>
    tpu.wait_indirect_dma semaphore(%arg8 : memref<!tpu.dma_semaphore, #tpu.memory_space<semaphore_mem>>) src(%dma_wait3A_247 : memref<512x32xf32, #tpu.memory_space<hbm>>) dst(%dma_wait3A_241 : memref<128x32xf32, #tpu.memory_space<vmem>>)
    %dma_wait3A_248 = arith.constant 1 : i32
    %dma_wait3A_249 = arith.constant 128 : i32
    %dma_wait3A_250 = arith.constant 0 : i32
    %dma_wait3A_251 = tpu.memref_slice %arg7[%dma_wait3A_249, %dma_wait3A_250] : memref<2048x32xf32, #tpu.memory_space<vmem>> -> memref<128x32xf32, #tpu.memory_space<vmem>>
    %dma_wait3A_252 = arith.constant 0 : i32
    %dma_wait3A_253 = tpu.memref_slice %arg6[%dma_wait3A_248, %dma_wait3A_252] : memref<16x128xi32, #tpu.memory_space<vmem>> -> memref<1x128xi32, #tpu.memory_space<vmem>>
    %dma_wait3A_254 = tpu.memref_squeeze %dma_wait3A_253 : memref<1x128xi32, #tpu.memory_space<vmem>> -> memref<128xi32, #tpu.memory_space<vmem>>
    %dma_wait3A_255 = arith.constant 0 : i32
    %dma_wait3A_256 = arith.constant 0 : i32
    %dma_wait3A_257 = tpu.memref_slice %arg2[%dma_wait3A_255, %dma_wait3A_256] : memref<512x32xf32, #tpu.memory_space<hbm>> -> memref<512x32xf32, #tpu.memory_space<hbm>>
    tpu.wait_indirect_dma semaphore(%arg8 : memref<!tpu.dma_semaphore, #tpu.memory_space<semaphore_mem>>) src(%dma_wait3A_257 : memref<512x32xf32, #tpu.memory_space<hbm>>) dst(%dma_wait3A_251 : memref<128x32xf32, #tpu.memory_space<vmem>>)
    %dma_wait3A_258 = arith.constant 2 : i32
    %dma_wait3A_259 = arith.constant 256 : i32
    %dma_wait3A_260 = arith.constant 0 : i32
    %dma_wait3A_261 = tpu.memref_slice %arg7[%dma_wait3A_259, %dma_wait3A_260] : memref<2048x32xf32, #tpu.memory_space<vmem>> -> memref<128x32xf32, #tpu.memory_space<vmem>>
    %dma_wait3A_262 = arith.constant 0 : i32
    %dma_wait3A_263 = tpu.memref_slice %arg6[%dma_wait3A_258, %dma_wait3A_262] : memref<16x128xi32, #tpu.memory_space<vmem>> -> memref<1x128xi32, #tpu.memory_space<vmem>>
    %dma_wait3A_264 = tpu.memref_squeeze %dma_wait3A_263 : memref<1x128xi32, #tpu.memory_space<vmem>> -> memref<128xi32, #tpu.memory_space<vmem>>
    %dma_wait3A_265 = arith.constant 0 : i32
    %dma_wait3A_266 = arith.constant 0 : i32
    %dma_wait3A_267 = tpu.memref_slice %arg2[%dma_wait3A_265, %dma_wait3A_266] : memref<512x32xf32, #tpu.memory_space<hbm>> -> memref<512x32xf32, #tpu.memory_space<hbm>>
    tpu.wait_indirect_dma semaphore(%arg8 : memref<!tpu.dma_semaphore, #tpu.memory_space<semaphore_mem>>) src(%dma_wait3A_267 : memref<512x32xf32, #tpu.memory_space<hbm>>) dst(%dma_wait3A_261 : memref<128x32xf32, #tpu.memory_space<vmem>>)
    %dma_wait3A_268 = arith.constant 3 : i32
    %dma_wait3A_269 = arith.constant 384 : i32
    %dma_wait3A_270 = arith.constant 0 : i32
    %dma_wait3A_271 = tpu.memref_slice %arg7[%dma_wait3A_269, %dma_wait3A_270] : memref<2048x32xf32, #tpu.memory_space<vmem>> -> memref<128x32xf32, #tpu.memory_space<vmem>>
    %dma_wait3A_272 = arith.constant 0 : i32
    %dma_wait3A_273 = tpu.memref_slice %arg6[%dma_wait3A_268, %dma_wait3A_272] : memref<16x128xi32, #tpu.memory_space<vmem>> -> memref<1x128xi32, #tpu.memory_space<vmem>>
    %dma_wait3A_274 = tpu.memref_squeeze %dma_wait3A_273 : memref<1x128xi32, #tpu.memory_space<vmem>> -> memref<128xi32, #tpu.memory_space<vmem>>
    %dma_wait3A_275 = arith.constant 0 : i32
    %dma_wait3A_276 = arith.constant 0 : i32
    %dma_wait3A_277 = tpu.memref_slice %arg2[%dma_wait3A_275, %dma_wait3A_276] : memref<512x32xf32, #tpu.memory_space<hbm>> -> memref<512x32xf32, #tpu.memory_space<hbm>>
    tpu.wait_indirect_dma semaphore(%arg8 : memref<!tpu.dma_semaphore, #tpu.memory_space<semaphore_mem>>) src(%dma_wait3A_277 : memref<512x32xf32, #tpu.memory_space<hbm>>) dst(%dma_wait3A_271 : memref<128x32xf32, #tpu.memory_space<vmem>>)
    %dma_wait3A_278 = arith.constant 4 : i32
    %dma_wait3A_279 = arith.constant 512 : i32
    %dma_wait3A_280 = arith.constant 0 : i32
    %dma_wait3A_281 = tpu.memref_slice %arg7[%dma_wait3A_279, %dma_wait3A_280] : memref<2048x32xf32, #tpu.memory_space<vmem>> -> memref<128x32xf32, #tpu.memory_space<vmem>>
    %dma_wait3A_282 = arith.constant 0 : i32
    %dma_wait3A_283 = tpu.memref_slice %arg6[%dma_wait3A_278, %dma_wait3A_282] : memref<16x128xi32, #tpu.memory_space<vmem>> -> memref<1x128xi32, #tpu.memory_space<vmem>>
    %dma_wait3A_284 = tpu.memref_squeeze %dma_wait3A_283 : memref<1x128xi32, #tpu.memory_space<vmem>> -> memref<128xi32, #tpu.memory_space<vmem>>
    %dma_wait3A_285 = arith.constant 0 : i32
    %dma_wait3A_286 = arith.constant 0 : i32
    %dma_wait3A_287 = tpu.memref_slice %arg2[%dma_wait3A_285, %dma_wait3A_286] : memref<512x32xf32, #tpu.memory_space<hbm>> -> memref<512x32xf32, #tpu.memory_space<hbm>>
    tpu.wait_indirect_dma semaphore(%arg8 : memref<!tpu.dma_semaphore, #tpu.memory_space<semaphore_mem>>) src(%dma_wait3A_287 : memref<512x32xf32, #tpu.memory_space<hbm>>) dst(%dma_wait3A_281 : memref<128x32xf32, #tpu.memory_space<vmem>>)
    %dma_wait3A_288 = arith.constant 5 : i32
    %dma_wait3A_289 = arith.constant 640 : i32
    %dma_wait3A_290 = arith.constant 0 : i32
    %dma_wait3A_291 = tpu.memref_slice %arg7[%dma_wait3A_289, %dma_wait3A_290] : memref<2048x32xf32, #tpu.memory_space<vmem>> -> memref<128x32xf32, #tpu.memory_space<vmem>>
    %dma_wait3A_292 = arith.constant 0 : i32
    %dma_wait3A_293 = tpu.memref_slice %arg6[%dma_wait3A_288, %dma_wait3A_292] : memref<16x128xi32, #tpu.memory_space<vmem>> -> memref<1x128xi32, #tpu.memory_space<vmem>>
    %dma_wait3A_294 = tpu.memref_squeeze %dma_wait3A_293 : memref<1x128xi32, #tpu.memory_space<vmem>> -> memref<128xi32, #tpu.memory_space<vmem>>
    %dma_wait3A_295 = arith.constant 0 : i32
    %dma_wait3A_296 = arith.constant 0 : i32
    %dma_wait3A_297 = tpu.memref_slice %arg2[%dma_wait3A_295, %dma_wait3A_296] : memref<512x32xf32, #tpu.memory_space<hbm>> -> memref<512x32xf32, #tpu.memory_space<hbm>>
    tpu.wait_indirect_dma semaphore(%arg8 : memref<!tpu.dma_semaphore, #tpu.memory_space<semaphore_mem>>) src(%dma_wait3A_297 : memref<512x32xf32, #tpu.memory_space<hbm>>) dst(%dma_wait3A_291 : memref<128x32xf32, #tpu.memory_space<vmem>>)
    %dma_wait3A_298 = arith.constant 6 : i32
    %dma_wait3A_299 = arith.constant 768 : i32
    %dma_wait3A_300 = arith.constant 0 : i32
    %dma_wait3A_301 = tpu.memref_slice %arg7[%dma_wait3A_299, %dma_wait3A_300] : memref<2048x32xf32, #tpu.memory_space<vmem>> -> memref<128x32xf32, #tpu.memory_space<vmem>>
    %dma_wait3A_302 = arith.constant 0 : i32
    %dma_wait3A_303 = tpu.memref_slice %arg6[%dma_wait3A_298, %dma_wait3A_302] : memref<16x128xi32, #tpu.memory_space<vmem>> -> memref<1x128xi32, #tpu.memory_space<vmem>>
    %dma_wait3A_304 = tpu.memref_squeeze %dma_wait3A_303 : memref<1x128xi32, #tpu.memory_space<vmem>> -> memref<128xi32, #tpu.memory_space<vmem>>
    %dma_wait3A_305 = arith.constant 0 : i32
    %dma_wait3A_306 = arith.constant 0 : i32
    %dma_wait3A_307 = tpu.memref_slice %arg2[%dma_wait3A_305, %dma_wait3A_306] : memref<512x32xf32, #tpu.memory_space<hbm>> -> memref<512x32xf32, #tpu.memory_space<hbm>>
    tpu.wait_indirect_dma semaphore(%arg8 : memref<!tpu.dma_semaphore, #tpu.memory_space<semaphore_mem>>) src(%dma_wait3A_307 : memref<512x32xf32, #tpu.memory_space<hbm>>) dst(%dma_wait3A_301 : memref<128x32xf32, #tpu.memory_space<vmem>>)
    %dma_wait3A_308 = arith.constant 7 : i32
    %dma_wait3A_309 = arith.constant 896 : i32
    %dma_wait3A_310 = arith.constant 0 : i32
    %dma_wait3A_311 = tpu.memref_slice %arg7[%dma_wait3A_309, %dma_wait3A_310] : memref<2048x32xf32, #tpu.memory_space<vmem>> -> memref<128x32xf32, #tpu.memory_space<vmem>>
    %dma_wait3A_312 = arith.constant 0 : i32
    %dma_wait3A_313 = tpu.memref_slice %arg6[%dma_wait3A_308, %dma_wait3A_312] : memref<16x128xi32, #tpu.memory_space<vmem>> -> memref<1x128xi32, #tpu.memory_space<vmem>>
    %dma_wait3A_314 = tpu.memref_squeeze %dma_wait3A_313 : memref<1x128xi32, #tpu.memory_space<vmem>> -> memref<128xi32, #tpu.memory_space<vmem>>
    %dma_wait3A_315 = arith.constant 0 : i32
    %dma_wait3A_316 = arith.constant 0 : i32
    %dma_wait3A_317 = tpu.memref_slice %arg2[%dma_wait3A_315, %dma_wait3A_316] : memref<512x32xf32, #tpu.memory_space<hbm>> -> memref<512x32xf32, #tpu.memory_space<hbm>>
    tpu.wait_indirect_dma semaphore(%arg8 : memref<!tpu.dma_semaphore, #tpu.memory_space<semaphore_mem>>) src(%dma_wait3A_317 : memref<512x32xf32, #tpu.memory_space<hbm>>) dst(%dma_wait3A_311 : memref<128x32xf32, #tpu.memory_space<vmem>>)
    %dma_wait3A_318 = arith.constant 8 : i32
    %dma_wait3A_319 = arith.constant 1024 : i32
    %dma_wait3A_320 = arith.constant 0 : i32
    %dma_wait3A_321 = tpu.memref_slice %arg7[%dma_wait3A_319, %dma_wait3A_320] : memref<2048x32xf32, #tpu.memory_space<vmem>> -> memref<128x32xf32, #tpu.memory_space<vmem>>
    %dma_wait3A_322 = arith.constant 0 : i32
    %dma_wait3A_323 = tpu.memref_slice %arg6[%dma_wait3A_318, %dma_wait3A_322] : memref<16x128xi32, #tpu.memory_space<vmem>> -> memref<1x128xi32, #tpu.memory_space<vmem>>
    %dma_wait3A_324 = tpu.memref_squeeze %dma_wait3A_323 : memref<1x128xi32, #tpu.memory_space<vmem>> -> memref<128xi32, #tpu.memory_space<vmem>>
    %dma_wait3A_325 = arith.constant 0 : i32
    %dma_wait3A_326 = arith.constant 0 : i32
    %dma_wait3A_327 = tpu.memref_slice %arg2[%dma_wait3A_325, %dma_wait3A_326] : memref<512x32xf32, #tpu.memory_space<hbm>> -> memref<512x32xf32, #tpu.memory_space<hbm>>
    tpu.wait_indirect_dma semaphore(%arg8 : memref<!tpu.dma_semaphore, #tpu.memory_space<semaphore_mem>>) src(%dma_wait3A_327 : memref<512x32xf32, #tpu.memory_space<hbm>>) dst(%dma_wait3A_321 : memref<128x32xf32, #tpu.memory_space<vmem>>)
    %dma_wait3A_328 = arith.constant 9 : i32
    %dma_wait3A_329 = arith.constant 1152 : i32
    %dma_wait3A_330 = arith.constant 0 : i32
    %dma_wait3A_331 = tpu.memref_slice %arg7[%dma_wait3A_329, %dma_wait3A_330] : memref<2048x32xf32, #tpu.memory_space<vmem>> -> memref<128x32xf32, #tpu.memory_space<vmem>>
    %dma_wait3A_332 = arith.constant 0 : i32
    %dma_wait3A_333 = tpu.memref_slice %arg6[%dma_wait3A_328, %dma_wait3A_332] : memref<16x128xi32, #tpu.memory_space<vmem>> -> memref<1x128xi32, #tpu.memory_space<vmem>>
    %dma_wait3A_334 = tpu.memref_squeeze %dma_wait3A_333 : memref<1x128xi32, #tpu.memory_space<vmem>> -> memref<128xi32, #tpu.memory_space<vmem>>
    %dma_wait3A_335 = arith.constant 0 : i32
    %dma_wait3A_336 = arith.constant 0 : i32
    %dma_wait3A_337 = tpu.memref_slice %arg2[%dma_wait3A_335, %dma_wait3A_336] : memref<512x32xf32, #tpu.memory_space<hbm>> -> memref<512x32xf32, #tpu.memory_space<hbm>>
    tpu.wait_indirect_dma semaphore(%arg8 : memref<!tpu.dma_semaphore, #tpu.memory_space<semaphore_mem>>) src(%dma_wait3A_337 : memref<512x32xf32, #tpu.memory_space<hbm>>) dst(%dma_wait3A_331 : memref<128x32xf32, #tpu.memory_space<vmem>>)
    %dma_wait3A_338 = arith.constant 10 : i32
    %dma_wait3A_339 = arith.constant 1280 : i32
    %dma_wait3A_340 = arith.constant 0 : i32
    %dma_wait3A_341 = tpu.memref_slice %arg7[%dma_wait3A_339, %dma_wait3A_340] : memref<2048x32xf32, #tpu.memory_space<vmem>> -> memref<128x32xf32, #tpu.memory_space<vmem>>
    %dma_wait3A_342 = arith.constant 0 : i32
    %dma_wait3A_343 = tpu.memref_slice %arg6[%dma_wait3A_338, %dma_wait3A_342] : memref<16x128xi32, #tpu.memory_space<vmem>> -> memref<1x128xi32, #tpu.memory_space<vmem>>
    %dma_wait3A_344 = tpu.memref_squeeze %dma_wait3A_343 : memref<1x128xi32, #tpu.memory_space<vmem>> -> memref<128xi32, #tpu.memory_space<vmem>>
    %dma_wait3A_345 = arith.constant 0 : i32
    %dma_wait3A_346 = arith.constant 0 : i32
    %dma_wait3A_347 = tpu.memref_slice %arg2[%dma_wait3A_345, %dma_wait3A_346] : memref<512x32xf32, #tpu.memory_space<hbm>> -> memref<512x32xf32, #tpu.memory_space<hbm>>
    tpu.wait_indirect_dma semaphore(%arg8 : memref<!tpu.dma_semaphore, #tpu.memory_space<semaphore_mem>>) src(%dma_wait3A_347 : memref<512x32xf32, #tpu.memory_space<hbm>>) dst(%dma_wait3A_341 : memref<128x32xf32, #tpu.memory_space<vmem>>)
    %dma_wait3A_348 = arith.constant 11 : i32
    %dma_wait3A_349 = arith.constant 1408 : i32
    %dma_wait3A_350 = arith.constant 0 : i32
    %dma_wait3A_351 = tpu.memref_slice %arg7[%dma_wait3A_349, %dma_wait3A_350] : memref<2048x32xf32, #tpu.memory_space<vmem>> -> memref<128x32xf32, #tpu.memory_space<vmem>>
    %dma_wait3A_352 = arith.constant 0 : i32
    %dma_wait3A_353 = tpu.memref_slice %arg6[%dma_wait3A_348, %dma_wait3A_352] : memref<16x128xi32, #tpu.memory_space<vmem>> -> memref<1x128xi32, #tpu.memory_space<vmem>>
    %dma_wait3A_354 = tpu.memref_squeeze %dma_wait3A_353 : memref<1x128xi32, #tpu.memory_space<vmem>> -> memref<128xi32, #tpu.memory_space<vmem>>
    %dma_wait3A_355 = arith.constant 0 : i32
    %dma_wait3A_356 = arith.constant 0 : i32
    %dma_wait3A_357 = tpu.memref_slice %arg2[%dma_wait3A_355, %dma_wait3A_356] : memref<512x32xf32, #tpu.memory_space<hbm>> -> memref<512x32xf32, #tpu.memory_space<hbm>>
    tpu.wait_indirect_dma semaphore(%arg8 : memref<!tpu.dma_semaphore, #tpu.memory_space<semaphore_mem>>) src(%dma_wait3A_357 : memref<512x32xf32, #tpu.memory_space<hbm>>) dst(%dma_wait3A_351 : memref<128x32xf32, #tpu.memory_space<vmem>>)
    %dma_wait3A_358 = arith.constant 12 : i32
    %dma_wait3A_359 = arith.constant 1536 : i32
    %dma_wait3A_360 = arith.constant 0 : i32
    %dma_wait3A_361 = tpu.memref_slice %arg7[%dma_wait3A_359, %dma_wait3A_360] : memref<2048x32xf32, #tpu.memory_space<vmem>> -> memref<128x32xf32, #tpu.memory_space<vmem>>
    %dma_wait3A_362 = arith.constant 0 : i32
    %dma_wait3A_363 = tpu.memref_slice %arg6[%dma_wait3A_358, %dma_wait3A_362] : memref<16x128xi32, #tpu.memory_space<vmem>> -> memref<1x128xi32, #tpu.memory_space<vmem>>
    %dma_wait3A_364 = tpu.memref_squeeze %dma_wait3A_363 : memref<1x128xi32, #tpu.memory_space<vmem>> -> memref<128xi32, #tpu.memory_space<vmem>>
    %dma_wait3A_365 = arith.constant 0 : i32
    %dma_wait3A_366 = arith.constant 0 : i32
    %dma_wait3A_367 = tpu.memref_slice %arg2[%dma_wait3A_365, %dma_wait3A_366] : memref<512x32xf32, #tpu.memory_space<hbm>> -> memref<512x32xf32, #tpu.memory_space<hbm>>
    tpu.wait_indirect_dma semaphore(%arg8 : memref<!tpu.dma_semaphore, #tpu.memory_space<semaphore_mem>>) src(%dma_wait3A_367 : memref<512x32xf32, #tpu.memory_space<hbm>>) dst(%dma_wait3A_361 : memref<128x32xf32, #tpu.memory_space<vmem>>)
    %dma_wait3A_368 = arith.constant 13 : i32
    %dma_wait3A_369 = arith.constant 1664 : i32
    %dma_wait3A_370 = arith.constant 0 : i32
    %dma_wait3A_371 = tpu.memref_slice %arg7[%dma_wait3A_369, %dma_wait3A_370] : memref<2048x32xf32, #tpu.memory_space<vmem>> -> memref<128x32xf32, #tpu.memory_space<vmem>>
    %dma_wait3A_372 = arith.constant 0 : i32
    %dma_wait3A_373 = tpu.memref_slice %arg6[%dma_wait3A_368, %dma_wait3A_372] : memref<16x128xi32, #tpu.memory_space<vmem>> -> memref<1x128xi32, #tpu.memory_space<vmem>>
    %dma_wait3A_374 = tpu.memref_squeeze %dma_wait3A_373 : memref<1x128xi32, #tpu.memory_space<vmem>> -> memref<128xi32, #tpu.memory_space<vmem>>
    %dma_wait3A_375 = arith.constant 0 : i32
    %dma_wait3A_376 = arith.constant 0 : i32
    %dma_wait3A_377 = tpu.memref_slice %arg2[%dma_wait3A_375, %dma_wait3A_376] : memref<512x32xf32, #tpu.memory_space<hbm>> -> memref<512x32xf32, #tpu.memory_space<hbm>>
    tpu.wait_indirect_dma semaphore(%arg8 : memref<!tpu.dma_semaphore, #tpu.memory_space<semaphore_mem>>) src(%dma_wait3A_377 : memref<512x32xf32, #tpu.memory_space<hbm>>) dst(%dma_wait3A_371 : memref<128x32xf32, #tpu.memory_space<vmem>>)
    %dma_wait3A_378 = arith.constant 14 : i32
    %dma_wait3A_379 = arith.constant 1792 : i32
    %dma_wait3A_380 = arith.constant 0 : i32
    %dma_wait3A_381 = tpu.memref_slice %arg7[%dma_wait3A_379, %dma_wait3A_380] : memref<2048x32xf32, #tpu.memory_space<vmem>> -> memref<128x32xf32, #tpu.memory_space<vmem>>
    %dma_wait3A_382 = arith.constant 0 : i32
    %dma_wait3A_383 = tpu.memref_slice %arg6[%dma_wait3A_378, %dma_wait3A_382] : memref<16x128xi32, #tpu.memory_space<vmem>> -> memref<1x128xi32, #tpu.memory_space<vmem>>
    %dma_wait3A_384 = tpu.memref_squeeze %dma_wait3A_383 : memref<1x128xi32, #tpu.memory_space<vmem>> -> memref<128xi32, #tpu.memory_space<vmem>>
    %dma_wait3A_385 = arith.constant 0 : i32
    %dma_wait3A_386 = arith.constant 0 : i32
    %dma_wait3A_387 = tpu.memref_slice %arg2[%dma_wait3A_385, %dma_wait3A_386] : memref<512x32xf32, #tpu.memory_space<hbm>> -> memref<512x32xf32, #tpu.memory_space<hbm>>
    tpu.wait_indirect_dma semaphore(%arg8 : memref<!tpu.dma_semaphore, #tpu.memory_space<semaphore_mem>>) src(%dma_wait3A_387 : memref<512x32xf32, #tpu.memory_space<hbm>>) dst(%dma_wait3A_381 : memref<128x32xf32, #tpu.memory_space<vmem>>)
    %dma_wait3A_388 = arith.constant 15 : i32
    %dma_wait3A_389 = arith.constant 1920 : i32
    %dma_wait3A_390 = arith.constant 0 : i32
    %dma_wait3A_391 = tpu.memref_slice %arg7[%dma_wait3A_389, %dma_wait3A_390] : memref<2048x32xf32, #tpu.memory_space<vmem>> -> memref<128x32xf32, #tpu.memory_space<vmem>>
    %dma_wait3A_392 = arith.constant 0 : i32
    %dma_wait3A_393 = tpu.memref_slice %arg6[%dma_wait3A_388, %dma_wait3A_392] : memref<16x128xi32, #tpu.memory_space<vmem>> -> memref<1x128xi32, #tpu.memory_space<vmem>>
    %dma_wait3A_394 = tpu.memref_squeeze %dma_wait3A_393 : memref<1x128xi32, #tpu.memory_space<vmem>> -> memref<128xi32, #tpu.memory_space<vmem>>
    %dma_wait3A_395 = arith.constant 0 : i32
    %dma_wait3A_396 = arith.constant 0 : i32
    %dma_wait3A_397 = tpu.memref_slice %arg2[%dma_wait3A_395, %dma_wait3A_396] : memref<512x32xf32, #tpu.memory_space<hbm>> -> memref<512x32xf32, #tpu.memory_space<hbm>>
    tpu.wait_indirect_dma semaphore(%arg8 : memref<!tpu.dma_semaphore, #tpu.memory_space<semaphore_mem>>) src(%dma_wait3A_397 : memref<512x32xf32, #tpu.memory_space<hbm>>) dst(%dma_wait3A_391 : memref<128x32xf32, #tpu.memory_space<vmem>>)
    %mul3A_398 = arith.constant 2048 : i32
    %mul3A_399 = arith.muli %add3A, %mul3A_398 : i32
    "tpu.region"() ({
      %run_scoped3A_400 = tpu.sem_alloc : memref<!tpu.dma_semaphore, #tpu.memory_space<semaphore_mem>>
      %dma_start3A_401 = arith.constant 0 : i32
      %dma_start3A_402 = tpu.memref_slice %arg4[%mul3A_399, %dma_start3A_401] : memref<65536x32xf32, #tpu.memory_space<hbm>> -> memref<2048x32xf32, #tpu.memory_space<hbm>>
      %dma_start3A_403 = arith.constant 0 : i32
      %dma_start3A_404 = tpu.memref_slice %arg4[%mul3A_399, %dma_start3A_403] : memref<65536x32xf32, #tpu.memory_space<hbm>> -> memref<2048x32xf32, #tpu.memory_space<hbm>>
      tpu.enqueue_dma source(%arg7 : memref<2048x32xf32, #tpu.memory_space<vmem>>) target(%dma_start3A_404 : memref<2048x32xf32, #tpu.memory_space<hbm>>) target_semaphore(%run_scoped3A_400 : memref<!tpu.dma_semaphore, #tpu.memory_space<semaphore_mem>>)
      %dma_wait3A_405 = arith.constant 0 : i32
      %dma_wait3A_406 = tpu.memref_slice %arg4[%mul3A_399, %dma_wait3A_405] : memref<65536x32xf32, #tpu.memory_space<hbm>> -> memref<2048x32xf32, #tpu.memory_space<hbm>>
      %dma_wait3A_407 = arith.constant 0 : i32
      %dma_wait3A_408 = tpu.memref_slice %arg4[%mul3A_399, %dma_wait3A_407] : memref<65536x32xf32, #tpu.memory_space<hbm>> -> memref<2048x32xf32, #tpu.memory_space<hbm>>
      tpu.wait_dma2 semaphore(%run_scoped3A_400 : memref<!tpu.dma_semaphore, #tpu.memory_space<semaphore_mem>>) src(%arg7 : memref<2048x32xf32, #tpu.memory_space<vmem>>) dst(%dma_wait3A_408 : memref<2048x32xf32, #tpu.memory_space<hbm>>)
      tpu.yield
    }) : () -> ()
    return
  }
}

module attributes {stable_mosaic.version = 14 : i64} {
  func.func @_vq_tc_body(%arg0: i32, %arg1: memref<2048x32xf32, #tpu.memory_space<vmem>>, %arg2: memref<512x32xf32, #tpu.memory_space<vmem>>, %arg3: memref<1x16x128xi32, #tpu.memory_space<vmem>>, %arg4: memref<1x1xf32, #tpu.memory_space<smem>>) attributes {dimension_semantics = [#tpu.dimension_semantics<arbitrary>], iteration_bounds = array<i64: 32>, scalar_prefetch = 0 : i64, scratch_operands = 0 : i64, tpu.core_type = #tpu.core_type<tc>, window_params = [{transform_indices = @transform_0, window_bounds = array<i64: 2048, 32>}, {pipeline_mode = #tpu.pipeline_mode<synchronous>, transform_indices = @transform_1, window_bounds = array<i64: 512, 32>}, {transform_indices = @transform_2, window_bounds = array<i64: 1, 16, 128>}, {transform_indices = @transform_3, window_bounds = array<i64: 1, 1>}]} {
    %get3A = arith.constant 0 : index
    %get3A_0 = arith.constant 0 : index
    %get3A_1 = vector.load %arg1[%get3A, %get3A_0] : memref<2048x32xf32, #tpu.memory_space<vmem>>, vector<2048x32xf32>
    %get3A_2 = arith.constant 0 : index
    %get3A_3 = arith.constant 0 : index
    %get3A_4 = vector.load %arg2[%get3A_2, %get3A_3] : memref<512x32xf32, #tpu.memory_space<vmem>>, vector<512x32xf32>
    %mul3A = arith.mulf %get3A_1, %get3A_1 : vector<2048x32xf32>
    %reduce_sum3A = arith.constant dense<0.000000e+00> : vector<2048xf32>
    %reduce_sum3A_5 = vector.multi_reduction <add>, %mul3A, %reduce_sum3A [1] : vector<2048x32xf32> to vector<2048xf32>
    %broadcast_in_dim3A = vector.shape_cast %reduce_sum3A_5 : vector<2048xf32> to vector<2048x1xf32>
    %mul3A_6 = arith.mulf %get3A_4, %get3A_4 : vector<512x32xf32>
    %reduce_sum3A_7 = arith.constant dense<0.000000e+00> : vector<512xf32>
    %reduce_sum3A_8 = vector.multi_reduction <add>, %mul3A_6, %reduce_sum3A_7 [1] : vector<512x32xf32> to vector<512xf32>
    %mul3A_9 = arith.constant -2.000000e+00 : f32
    %mul3A_10 = vector.broadcast %mul3A_9 : f32 to vector<2048x32xf32>
    %mul3A_11 = arith.mulf %mul3A_10, %get3A_1 : vector<2048x32xf32>
    %dot_general3A = arith.constant dense<0.000000e+00> : vector<2048x512xf32>
    %dot_general3A_12 = tpu.matmul %mul3A_11, %get3A_4, %dot_general3A {dimension_numbers = #tpu.dot_dimension_numbers<[1], [1], [0], [0], [0, 0, 1, 0], [], []>, transpose_lhs_hint = false} : vector<2048x32xf32>, vector<512x32xf32>, vector<2048x512xf32> -> vector<2048x512xf32>
    %broadcast_in_dim3A_13 = vector.shape_cast %reduce_sum3A_8 : vector<512xf32> to vector<1x512xf32>
    %add3A = vector.broadcast %broadcast_in_dim3A : vector<2048x1xf32> to vector<2048x512xf32>
    %add3A_14 = vector.broadcast %broadcast_in_dim3A_13 : vector<1x512xf32> to vector<2048x512xf32>
    %add3A_15 = arith.addf %add3A, %add3A_14 : vector<2048x512xf32>
    %add3A_16 = arith.addf %add3A_15, %dot_general3A_12 : vector<2048x512xf32>
    %reduce_min3A = arith.constant dense<0x7F800000> : vector<2048xf32>
    %reduce_min3A_17 = vector.multi_reduction <minimumf>, %add3A_16, %reduce_min3A [1] : vector<2048x512xf32> to vector<2048xf32>
    %iota3A = tpu.iota {dimensions = array<i32: 1>} : vector<2048x512xi32>
    %convert_element_type3A = arith.sitofp %iota3A : vector<2048x512xi32> to vector<2048x512xf32>
    %broadcast_in_dim3A_18 = vector.shape_cast %reduce_min3A_17 : vector<2048xf32> to vector<2048x1xf32>
    %eq3A = vector.broadcast %broadcast_in_dim3A_18 : vector<2048x1xf32> to vector<2048x512xf32>
    %eq3A_19 = arith.cmpf oeq, %add3A_16, %eq3A : vector<2048x512xf32>
    %jit3A = arith.constant 5.120000e+02 : f32
    %broadcast_in_dim3A_20 = vector.broadcast %jit3A : f32 to vector<2048x512xf32>
    %select_n3A = arith.select %eq3A_19, %convert_element_type3A, %broadcast_in_dim3A_20 : vector<2048x512xi1>, vector<2048x512xf32>
    %reduce_min3A_21 = arith.constant dense<0x7F800000> : vector<2048xf32>
    %reduce_min3A_22 = vector.multi_reduction <minimumf>, %select_n3A, %reduce_min3A_21 [1] : vector<2048x512xf32> to vector<2048xf32>
    %convert_element_type3A_23 = arith.fptosi %reduce_min3A_22 : vector<2048xf32> to vector<2048xi32>
    %reshape3A = vector.shape_cast %convert_element_type3A_23 : vector<2048xi32> to vector<16x128xi32>
    %swap3A = arith.constant 0 : index
    %swap3A_24 = arith.constant 0 : index
    %swap3A_25 = arith.constant 0 : index
    %swap3A_26 = vector.load %arg3[%swap3A, %swap3A_24, %swap3A_25] : memref<1x16x128xi32, #tpu.memory_space<vmem>>, vector<1x16x128xi32>
    %swap3A_27 = vector.shape_cast %swap3A_26 : vector<1x16x128xi32> to vector<16x128xi32>
    %swap3A_28 = vector.shape_cast %reshape3A : vector<16x128xi32> to vector<1x16x128xi32>
    tpu.vector_store %arg3[%swap3A, %swap3A_24, %swap3A_25], %swap3A_28 {strides = array<i32>} : memref<1x16x128xi32, #tpu.memory_space<vmem>>, vector<1x16x128xi32>,
    %eq3A_29 = arith.constant 0 : i32
    %eq3A_30 = arith.cmpi eq, %arg0, %eq3A_29 : i32
    %convert_element_type3A_31 = arith.extui %eq3A_30 : i1 to i32
    %cond3A = arith.constant 0 : i32
    %cond3A_32 = arith.cmpi ne, %convert_element_type3A_31, %cond3A : i32
    scf.if %cond3A_32 {
      %swap3A_50 = arith.constant 0.000000e+00 : f32
      %swap3A_51 = arith.constant 0 : index
      %swap3A_52 = arith.constant 0 : index
      %swap3A_53 = memref.load %arg4[%swap3A_51, %swap3A_52] : memref<1x1xf32, #tpu.memory_space<smem>>
      memref.store %swap3A_50, %arg4[%swap3A_51, %swap3A_52] : memref<1x1xf32, #tpu.memory_space<smem>>
    } else {
    }
    %get3A_33 = arith.constant 0 : index
    %get3A_34 = arith.constant 0 : index
    %get3A_35 = memref.load %arg4[%get3A_33, %get3A_34] : memref<1x1xf32, #tpu.memory_space<smem>>
    %reduce_sum3A_36 = vector.shape_cast %reduce_min3A_17 : vector<2048xf32> to vector<1x2048xf32>
    %reduce_sum3A_37 = arith.constant dense<0.000000e+00> : vector<1xf32>
    %reduce_sum3A_38 = vector.multi_reduction <add>, %reduce_sum3A_36, %reduce_sum3A_37 [1] : vector<1x2048xf32> to vector<1xf32>
    %reduce_sum3A_39 = vector.shape_cast %reduce_sum3A_38 : vector<1xf32> to vector<1x1xf32>
    %reduce_sum3A_40 = vector.extract %reduce_sum3A_39[0, 0] : f32 from vector<1x1xf32>
    %add3A_41 = arith.addf %get3A_35, %reduce_sum3A_40 : f32
    %swap3A_42 = arith.constant 0 : index
    %swap3A_43 = arith.constant 0 : index
    %swap3A_44 = memref.load %arg4[%swap3A_42, %swap3A_43] : memref<1x1xf32, #tpu.memory_space<smem>>
    memref.store %add3A_41, %arg4[%swap3A_42, %swap3A_43] : memref<1x1xf32, #tpu.memory_space<smem>>
    %eq3A_45 = arith.constant 31 : i32
    %eq3A_46 = arith.cmpi eq, %arg0, %eq3A_45 : i32
    %convert_element_type3A_47 = arith.extui %eq3A_46 : i1 to i32
    %cond3A_48 = arith.constant 0 : i32
    %cond3A_49 = arith.cmpi ne, %convert_element_type3A_47, %cond3A_48 : i32
    scf.if %cond3A_49 {
      %mul3A_50 = arith.constant 5.96046448E-7 : f32
      %mul3A_51 = arith.mulf %add3A_41, %mul3A_50 : f32
      %swap3A_52 = arith.constant 0 : index
      %swap3A_53 = arith.constant 0 : index
      %swap3A_54 = memref.load %arg4[%swap3A_52, %swap3A_53] : memref<1x1xf32, #tpu.memory_space<smem>>
      memref.store %mul3A_51, %arg4[%swap3A_52, %swap3A_53] : memref<1x1xf32, #tpu.memory_space<smem>>
    } else {
    }
    return
  }
  func.func @transform_0(%arg0: i32) -> (i32, i32) {
    %c0_i32 = arith.constant 0 : i32
    %c0_i32_0 = arith.constant 0 : i32
    return %arg0, %c0_i32 : i32, i32
  }
  func.func @transform_1(%arg0: i32) -> (i32, i32) {
    %c0_i32 = arith.constant 0 : i32
    %c0_i32_0 = arith.constant 0 : i32
    %c0_i32_1 = arith.constant 0 : i32
    return %c0_i32, %c0_i32_0 : i32, i32
  }
  func.func @transform_2(%arg0: i32) -> (i32, i32, i32) {
    %c0_i32 = arith.constant 0 : i32
    %c0_i32_0 = arith.constant 0 : i32
    %c0_i32_1 = arith.constant 0 : i32
    return %arg0, %c0_i32, %c0_i32_0 : i32, i32, i32
  }
  func.func @transform_3(%arg0: i32) -> (i32, i32) {
    %c0_i32 = arith.constant 0 : i32
    %c0_i32_0 = arith.constant 0 : i32
    %c0_i32_1 = arith.constant 0 : i32
    return %c0_i32, %c0_i32_0 : i32, i32
  }
}

</mosaic_0001>

<sc_bundles>
// kernel: kernel.4.cloned.1.call-start
scs
__scs_entry_jumppad:
0x0: {  	(pc) =	sbr.rel $0x88, $3  }
0x1: {  	(tag) =	ssettag $0x0;
	lr =	simm.s32 $0x1  }
0x2: {  	[smem:$0x3F9F] =	sst lr;
	_ =	strace $0xD0000000  }
0x3: {  	_ = 	snop  }
0x4: {  	_ = 	snop  }
0x5: {  	_ = 	snop  }
0x6: {  	_ = 	snop  }
0x7: {  	_ = 	snop  }
__scs_overlays_trampoline_lowered:
0x8: {  	[smem:$0x3FAE] =	sst s0  }
0x9: {  	[smem:$0x3FAF] =	sst s1  }
0xa: {  	[smem:$0x3FB0] =	sst s2  }
0xb: {  	[smem:$0x3FB1] =	sst s3  }
0xc: {  	[smem:$0x3FB2] =	sst s4  }
0xd: {  	[smem:$0x3FB3] =	sst s5  }
0xe: {  	[smem:$0x3FB4] =	sst s6  }
0xf: {  	[smem:$0x3FB5] =	sst s7  }
0x10: {  	[smem:$0x3FB6] =	sst s8  }
0x11: {  	[smem:$0x3FB7] =	sst s9;
	s0 =	simm.s32 @!p0 $0x0  }
0x12: {  	s1 =	sld [smem:$0x3F9D];
	s0 =	simm.s32 @p0 $0x1  }
0x13: {  	[smem:$0x3FB8] =	sst s0;
	s0 =	simm.s32 @!p1 $0x0  }
0x14: {  	s2 =	sld [smem:$0x3F9C];
	s0 =	simm.s32 @p1 $0x1  }
0x15: {  	[smem:$0x3FB9] =	sst s0;
	s0 =	simm.s32 @!p2 $0x0  }
0x16: {  	s3 =	sld [smem:$0x3FDB];
	s0 =	simm.s32 @p2 $0x1  }
0x17: {  	s4 =	simm.s32 $0x1BF5;
	[smem:$0x3FBB] =	sst s0  }
0x18: {  	s0 =	sld [smem:$0x3F9E];
	_ =	swait.ge [sflag:s4], $0x0  }
0x19: {  	s7 =	sld [smem:$0x3F9F]  }
0x1a: {  	s8 =	sadd.s32 $0xFFFFE003, lr  }
0x1b: {  	s9 =	sadd.s32 $0xFFFFFEF7, lr;
	s5 =	simm.s32 $0xFFFFFFFF;
	p2 =	slt.u32 s8, $0xFFFFF086  }
0x1c: {  	p1 =	slt.u32 s9, $0xF7A;
	s5 =	simm.s32 @!p2 $0x0  }
0x1d: {  	s5 =	simm.s32 @p1 $0x1;
	p0 =	seq.s32 s7, s2  }
0x1e: {  	s7 =	smul.u32 @!p0 $0xF7A, s2;
	p2 =	seq.s32 @!p0 s5, $0x0  }
0x1f: {  	s9 =	smul.u32 $0xF7A, s1;
	s8 =	simm.s32 @!p0 $0x1BF5;
	p2 =	por !p2, p0  }
0x20: {  	[sflag:s8] =	ssyncset.s32 @!p0 $0xFFFFF086;
	s6 =	sadd.s32 @!p0 s3, s7;
	s7 =	simm.s32 @!p0 $0x108  }
0x21: {  	s3 =	sadd.s32 s3, s9;
	s6 =	sadd.s32 @!p0 $0x88, s6;
	s7 =	simm.s32 @p2 $0x1082  }
0x22: {  	[simem:s7], [sflag:s8] =	dma.local @!p0 [hbm:s6], $0xF7A  }
0x23: {  	s9 =	sor.u32 $0xD0000000, s2;
	s6 =	simm.s32 $0x108;
	_ =	swait.ge @!p0 [sflag:s8], $0x0  }
0x24: {  	s3 =	sadd.s32 $0x88, s3;
	s6 =	simm.s32 @!p1 $0x1082;
	[sflag:s4] =	ssyncset.s32 $0xFFFFF086  }
0x25: {  	[simem:s6], [sflag:s4] =	dma.local [hbm:s3], $0xF7A  }
0x26: {  	[smem:$0x3F9F] =	sst s1;
	(tag) =	ssettag s2;
	_ =	strace s9  }
0x27: {  	s1 =	sld [smem:$0x3FAF]  }
0x28: {  	s2 =	sld [smem:$0x3FB0]  }
0x29: {  	s4 =	sld [smem:$0x3FB2]  }
0x2a: {  	p0 =	seq.s32 s5, $0x0;
	s5 =	sld [smem:$0x3FB3]  }
0x2b: {  	s6 =	sld [smem:$0x3FB4]  }
0x2c: {  	s7 =	sld [smem:$0x3FB5]  }
0x2d: {  	s3 =	simm.s32 $0x108;
	s8 =	sld [smem:$0x3FB6]  }
0x2e: {  	s3 =	simm.s32 @!p0 $0x1082;
	s9 =	sld [smem:$0x3FB7]  }
0x2f: {  	lr =	sadd.s32 s0, s3;
	s0 =	sld [smem:$0x3FAE]  }
0x30: {  	s3 =	sld [smem:$0x3FB1]  }
0x31: {  	[smem:$0x3FBA] =	sst s10  }
0x32: {  	s10 =	sld [smem:$0x3FB8];
	_ =	sdelay $0x3  }
0x33: {  	p0 =	seq.s32 s10, $0x1;
	s10 =	sld [smem:$0x3FBA];
	_ =	sdelay $0x3  }
0x34: {  	[smem:$0x3FBA] =	sst s10  }
0x35: {  	s10 =	sld [smem:$0x3FB9];
	_ =	sdelay $0x3  }
0x36: {  	p1 =	seq.s32 s10, $0x1;
	s10 =	sld [smem:$0x3FBA];
	_ =	sdelay $0x3  }
0x37: {  	[smem:$0x3FBA] =	sst s10  }
0x38: {  	s10 =	sld [smem:$0x3FBB]  }
0x39: {  	_ = 	snop;
	(pc) =	sbr.ind lr, $3  }
0x3a: {  	_ = 	snop  }
0x3b: {  	_ = 	snop  }
0x3c: {  	p2 =	seq.s32 s10, $0x1;
	s10 =	sld [smem:$0x3FBA]  }
0x3d: {  	_ =	shalt  }
0x3e: {  	_ =	shalt  }
0x3f: {  	_ =	shalt  }
0x40: {  	_ =	shalt  }
0x41: {  	_ =	shalt  }
0x42: {  	_ =	shalt  }
0x43: {  	_ =	shalt  }
0x44: {  	_ =	shalt  }
0x45: {  	_ =	shalt  }
0x46: {  	_ =	shalt  }
0x47: {  	_ =	shalt  }
0x48: {  	_ =	shalt  }
0x49: {  	_ =	shalt  }
0x4a: {  	_ =	shalt  }
0x4b: {  	_ =	shalt  }
0x4c: {  	_ =	shalt  }
0x4d: {  	_ =	shalt  }
0x4e: {  	_ =	shalt  }
0x4f: {  	_ =	shalt  }
0x50: {  	_ =	shalt  }
0x51: {  	_ =	shalt  }
0x52: {  	_ =	shalt  }
0x53: {  	_ =	shalt  }
0x54: {  	_ =	shalt  }
0x55: {  	_ =	shalt  }
0x56: {  	_ =	shalt  }
0x57: {  	_ =	shalt  }
0x58: {  	_ =	shalt  }
0x59: {  	_ =	shalt  }
0x5a: {  	_ =	shalt  }
0x5b: {  	_ =	shalt  }
0x5c: {  	_ =	shalt  }
0x5d: {  	_ =	shalt  }
0x5e: {  	_ =	shalt  }
0x5f: {  	_ =	shalt  }
0x60: {  	_ =	shalt  }
0x61: {  	_ =	shalt  }
0x62: {  	_ =	shalt  }
0x63: {  	_ =	shalt  }
0x64: {  	_ =	shalt  }
0x65: {  	_ =	shalt  }
0x66: {  	_ =	shalt  }
0x67: {  	_ =	shalt  }
0x68: {  	_ =	shalt  }
0x69: {  	_ =	shalt  }
0x6a: {  	_ =	shalt  }
0x6b: {  	_ =	shalt  }
0x6c: {  	_ =	shalt  }
0x6d: {  	_ =	shalt  }
0x6e: {  	_ =	shalt  }
0x6f: {  	_ =	shalt  }
0x70: {  	_ =	shalt  }
0x71: {  	_ =	shalt  }
0x72: {  	_ =	shalt  }
0x73: {  	_ =	shalt  }
0x74: {  	_ =	shalt  }
0x75: {  	_ =	shalt  }
0x76: {  	_ =	shalt  }
0x77: {  	_ =	shalt  }
0x78: {  	_ =	shalt  }
0x79: {  	_ =	shalt  }
0x7a: {  	_ =	shalt  }
0x7b: {  	_ =	shalt  }
0x7c: {  	_ =	shalt  }
0x7d: {  	_ =	shalt  }
0x7e: {  	_ =	shalt  }
0x7f: {  	_ =	shalt  }
0x80: {  	_ =	shalt  }
0x81: {  	_ =	shalt  }
0x82: {  	_ =	shalt  }
0x83: {  	_ =	shalt  }
0x84: {  	_ =	shalt  }
0x85: {  	_ =	shalt  }
0x86: {  	_ =	shalt  }
0x87: {  	_ =	shalt  }
.Lfunc_end0:
.L_simem_size_0:
called_computation_lowered:
.L_overlay_start_0:
0x88: {  	s2 =	sld [smem:$0x3FD9]  }
0x89: {  	s3 =	sld [smem:$0x3FFE];
	_ =	sdelay $0x1  }
0x8a: {  	s1 =	srdreg.scid  }
0x8b: {  	s0 =	sand.u32 $0x1, s1  }
0x8c: {  	s14 =	sshll.u32 s0, $0xA;
	s2 =	sadd.s32 s3, s2  }
0x8d: {  	s2 =	sadd.s32 s2, s14  }
0x8e: {  	[smem:$0x3FC6] =	sst s2  }
0x8f: {  	_ = 	snop  }
0x90: {  	s2 =	sld [smem:$0x3FD0];
	_ =	sdelay $0x2  }
0x91: {  	s15 =	simm.s32 $0xA;
	s4 =	simm.s32 $0x10  }
0x92: {  	[smem:s4], [sflag:s15] =	dma.local [hbm:s2], $0x1  }
0x93: {  	_ =	swait.eq [sflag:s15], $0x1  }
0x94: {  	[sflag:s15] =	ssyncset.done $0x0  }
0x95: {  	s16 =	sld [smem:$0x10];
	[sflag:s15] =	ssyncadd.s32 $0xFFFFFFFF  }
0x96: {  	s17 =	sld [smem:$0x12];
	(tm) =	ssettm $0x1  }
0x97: {  	s18 =	sld [smem:$0x3FFB];
	_ =	sdelay $0x3  }
0x98: {  	_ =	strace s18  }
0x99: {  	s4 =	sld [smem:$0x3FFC];
	_ =	sdelay $0x3  }
0x9a: {  	_ =	strace s4  }
0x9b: {  	s4 =	sld [smem:$0x3FFD];
	_ =	sdelay $0x3  }
0x9c: {  	_ =	strace s4  }
0x9d: {  	_ =	strace $0x8FFFFFFF  }
0x9e: {  	s19 =	sld [smem:$0x3FDB];
	_ =	sdelay $0x1  }
0x9f: {  	s5 =	simm.s32 $_scs_section_size  }
0xa0: {  	s6 =	simm.s32 $_size__tile_overlayer_lowered;
	s7 =	simm.s32 $_tile_overlayer_lowered  }
0xa1: {  	s22 =	simm.s32 $0x1BFF;
	s21 =	sshll.u32 s7, $0x1;
	s4 =	sadd.s32 s5, s19  }
0xa2: {  	s8 =	simm.s32 $0x0;
	s20 =	sshll.u32 s6, $0x1;
	s6 =	sadd.s32 s21, s4  }
0xa3: {  	[timem:s8], [sflag:s22] =	dma.local [hbm:s6], s20  }
0xa4: {  	_ =	swait.ge [sflag:s22], s20  }
0xa5: {  	s5 =	ssub.s32 $0x0, s20;
	[sflag:s22] =	ssyncset.done $0x0  }
0xa6: {  	[sflag:s22] =	ssyncadd.s32 s5;
	_ =	sdelay $0x1  }
0xa7: {  	s23 =	simm.s32 $0x1B8B  }
0xa8: {  	_ =	swait.ge [sflag:s23], $0x1  }
0xa9: {  	[sflag:s23] =	ssyncset.done $0x0  }
0xaa: {  	s25 =	simm.s32 $0x1B8E;
	s24 =	sld [smem:$0x3FFE];
	[sflag:s23] =	ssyncadd.s32 $0xFFFFFFFF  }
0xab: {  	s26 =	simm.s32 $execute0_lowered;
	[smem:$0x3FD2] =	sst s25  }
0xac: {  	s6 =	sshll.u32 s26, $0x1;
	_ =	strace $0x80000046;
	[dreg:$0x1] =	wrdreg $0xFFFFFFFF  }
0xad: {  	s28 =	simm.s32 $_size_execute0_lowered;
	s4 =	sadd.s32 s4, s6;
	[dreg:$0x0] =	wrdreg $0x0  }
0xae: {  	s6 =	sshll.u32 s28, $0x1;
	[dreg:$0x2] =	wrdreg s4  }
0xaf: {  	[dreg:$0x3] =	wrdreg s6  }
0xb0: {  	[dreg:$0x4] =	wrdreg $0xC0  }
0xb1: {  	_ =	task [dreg:s8], $0x5FFFF  }
0xb2: {  	[dreg:$0x1] =	wrdreg $0xFFFFFFFF  }
0xb3: {  	[dreg:$0x0] =	wrdreg $0x60  }
0xb4: {  	[dreg:$0x2] =	wrdreg s24  }
0xb5: {  	[dreg:$0x3] =	wrdreg s16  }
0xb6: {  	[dreg:$0x4] =	wrdreg s17  }
0xb7: {  	[dreg:$0x5] =	wrdreg $0x9  }
0xb8: {  	_ =	task.clear_ibuf [dreg:s8], $0x6FFFF;
	_ =	strace $0x90000046  }
0xb9: {  	s29 =	simm.s32 $0x9;
	_ =	strace $0x80000048  }
0xba: {  	_ =	swait.ge [sflag:s29], $0x1  }
0xbb: {  	[sflag:s29] =	ssyncadd.s32 $0xFFFFFFFF  }
0xbc: {  	_ =	strace $0x90000048  }
0xbd: {  	_ =	sfence  }
0xbe: {  	s30 =	sld [smem:$0x0];
	_ =	sdelay $0x2  }
0xbf: {  	s31 =	sshll.u32 s1, $0xD;
	s1 =	sshrl.u32 s1, $0x2  }
0xc0: {  	s3 =	sand.u32 $0x4000, s31;
	s1 =	sadd.s32 s1, s30  }
0xc1: {  	s0 =	sor.u32 s3, s0;
	s1 =	sshll.u32 s1, $0x11  }
0xc2: {  	s0 =	sor.u32 s1, s0  }
0xc3: {  	s0 =	sadd.s32 $0x8F2B, s0  }
0xc4: {  	[sflag:s0] =	ssyncadd.remote.s32 $0x1  }
0xc5: {  	_ =	sfence.sel $0xFFFF  }
0xc6: {  	[dreg:$0x0] =	wrdreg $0xFFFFFFFF;
	(pc) =	sbr.abs _section_cstart, $3  }
0xc7: {  	[dreg:$0x1] =	wrdreg $0xFFFFFFFF  }
0xc8: {  	_ =	task.clear_ibuf [dreg:s8], $0x2FFFF;
	_ =	strace $0x9FFFFFFF  }
0xc9: {  	(tm) =	ssettm $0x7FFFFFFF  }
tec
execute0_lowered:
.L_overlay_start_1:
0x0: {  	(tag) =	ssettag $0x1  }
0x1: {  	s1 =	rddreg [dreg:$0x0]  }
0x2: {  	s0 =	srdreg.scid;
	s3 =	rddreg [dreg:$0x1]  }
0x3: {  	s2 =	stileid.u32;
	s5 =	rddreg [dreg:$0x2];
	s17 =	simm.s32 $0x1800  }
0x4: {  	s21 =	simm.s32 $0x80;
	s18 =	simm.s32 $0x2800;
	s0 =	sand.u32 $0x1, s0  }
0x5: {  	s19 =	simm.s32 $0x3800;
	s2 =	sshll.u32 s2, $0xC;
	s4 =	sshll.u32 s0, $0xB  }
0x6: {  	s28 =	simm.s32 $0xB800;
	s4 =	sor.u32 s4, s2;
	s2 =	simm.s32 $0x0  }
0x7: {  	s29 =	simm.s32 $0xC800;
	p0 =	por $0x0, $0x0;
	[smem:$0x7FF] =	sst s2  }
0x8: {  	s30 =	simm.s32 $0xD800;
	_ =	strace $0x80000047;
	[dreg:$0x15] =	wrdreg s17  }
0x9: {  	s6 =	sshrl.u32 s4, $0x3;
	s4 =	sshll.u32 s4, $0x2;
	[dreg:$0x16] =	wrdreg s18  }
0xa: {  	s7 =	sadd.s32 s6, s1;
	s3 =	sadd.s32 s3, s4;
	[dreg:$0x17] =	wrdreg s19  }
0xb: {  	s6 =	sadd.s32 s5, s6;
	s7 =	sadd.s32 $0x1400, s7;
	[dreg:$0x14] =	wrdreg s3  }
0xc: {  	s31 =	simm.s32 $0xE800;
	s5 =	sadd.s32 $0x10, s6;
	[dreg:$0x4] =	wrdreg s7  }
0xd: {  	s20 =	sadd.s32 $0xC00, s1;
	s22 =	sadd.s32 $0x20, s6;
	[dreg:$0x5] =	wrdreg s5  }
0xe: {  	s0 =	ssub.s32 $0x2, s0;
	s23 =	sadd.s32 $0x30, s6;
	[dreg:$0x6] =	wrdreg s22  }
0xf: {  	s16 =	sshrl.u32 s0, $0x1;
	s24 =	sadd.s32 $0x40, s6;
	[dreg:$0x7] =	wrdreg s23  }
0x10: {  	s0 =	ssub.s32 s0, s16;
	s25 =	sadd.s32 $0x50, s6;
	[dreg:$0x8] =	wrdreg s24  }
0x11: {  	s16 =	simm.s32 $0x300;
	s26 =	sadd.s32 $0x60, s6;
	[dreg:$0x9] =	wrdreg s25  }
0x12: {  	s0 =	smax.u32 s0, $0x1;
	s8 =	sadd.s32 $0x80, s6;
	[dreg:$0xa] =	wrdreg s26  }
0x13: {  	s4 =	simm.s32 $0x800;
	s9 =	sadd.s32 $0x90, s6;
	[dreg:$0xc] =	wrdreg s8  }
0x14: {  	s19 =	simm.s32 $0x180;
	s10 =	sadd.s32 $0xA0, s6;
	[dreg:$0xd] =	wrdreg s9  }
0x15: {  	s18 =	simm.s32 $0x200;
	s11 =	sadd.s32 $0xB0, s6;
	[dreg:$0xe] =	wrdreg s10  }
0x16: {  	s17 =	simm.s32 $0x280;
	s12 =	sadd.s32 $0xC0, s6;
	[dreg:$0xf] =	wrdreg s11  }
0x17: {  	s13 =	sadd.s32 $0xD0, s6;
	s14 =	sadd.s32 $0xE0, s6;
	[dreg:$0x10] =	wrdreg s12  }
0x18: {  	s15 =	sadd.s32 $0xF0, s6;
	s3 =	simm.s32 $0x2;
	[dreg:$0x11] =	wrdreg s13  }
0x19: {  	p1 =	sne.s32 s0, $0x1;
	s7 =	sadd.s32 $0x70, s6;
	[dreg:$0x12] =	wrdreg s14  }
0x1a: {  	[dreg:$0x13] =	wrdreg s15;
	s22 =	simm.s32 $0x100;
	s23 =	simm.s32 $0x4800  }
0x1b: {  	s24 =	simm.s32 $0x5800;
	s25 =	simm.s32 $0x6800;
	s26 =	simm.s32 $0x7800  }
0x1c: {  	s15 =	simm.s32 $0x380;
	s14 =	simm.s32 $0x400;
	[dreg:$0xb] =	wrdreg s7  }
0x1d: {  	s13 =	simm.s32 $0x480;
	s12 =	simm.s32 $0x500;
	[dreg:$0x18] =	wrdreg s23  }
.Ltmp0:
0x1e: {  	s11 =	simm.s32 $0x580;
	[dreg:$0x19] =	wrdreg s24;
	(pc) =	sbr.rel @!p1 .LBB2_1-.Ltmp0, $4  }
0x1f: {  	s10 =	simm.s32 $0x600;
	s8 =	simm.s32 $0x680;
	[dreg:$0x1a] =	wrdreg s25  }
0x20: {  	s9 =	simm.s32 $0x700;
	s5 =	simm.s32 $0x1;
	[dreg:$0x1b] =	wrdreg s26  }
0x21: {  	s25 =	simm.s32 $0x9800;
	s26 =	simm.s32 $0xA800;
	s23 =	sadd.s32 $0xFFFFFFFF, s0  }
0x22: {  	s7 =	simm.s32 $0x780;
	s24 =	simm.s32 $0xF800;
	s0 =	rddreg [dreg:$0x4]  }
0x23: {  	[tilespmem:s2], [sflag:$0x2] =	stream.linear.gather [hbm4b:s0+s2], $0x800, $0x38;
	[tilespmem:$0x10800] =	vst v63  }
0x24: {  	_ =	swait.ge [sflag:s3], $0x800  }
0x25: {  	[sflag:s3] =	ssyncset.done $0x0  }
0x26: {  	[sflag:s3] =	ssyncadd.s32 $0xFFFFF800  }
0x27: {  	[tilespmem:s4], [sflag:$0x1] =	stream.indirect.gather [hbm4b:s20+s21], $0x20, s2, s21, $0xb8;
	[tilespmem:$0x10800] =	vst v63  }
0x28: {  	s0 =	rddreg [dreg:$0x15]  }
0x29: {  	[tilespmem:s0], [sflag:$0x1] =	stream.indirect.gather [hbm4b:s20+s21], $0x20, s21, s21, $0xb8;
	[tilespmem:$0x10800] =	vst v63  }
0x2a: {  	s1 =	rddreg [dreg:$0x16]  }
0x2b: {  	[tilespmem:s1], [sflag:$0x1] =	stream.indirect.gather [hbm4b:s20+s21], $0x20, s22, s21, $0xb8;
	[tilespmem:$0x10800] =	vst v63  }
0x2c: {  	s0 =	rddreg [dreg:$0x17]  }
0x2d: {  	[tilespmem:s0], [sflag:$0x1] =	stream.indirect.gather [hbm4b:s20+s21], $0x20, s19, s21, $0xb8;
	[tilespmem:$0x10800] =	vst v63  }
0x2e: {  	s1 =	rddreg [dreg:$0x18]  }
0x2f: {  	[tilespmem:s1], [sflag:$0x1] =	stream.indirect.gather [hbm4b:s20+s21], $0x20, s18, s21, $0xb8;
	[tilespmem:$0x10800] =	vst v63  }
0x30: {  	s0 =	rddreg [dreg:$0x19]  }
0x31: {  	[tilespmem:s0], [sflag:$0x1] =	stream.indirect.gather [hbm4b:s20+s21], $0x20, s17, s21, $0xb8;
	[tilespmem:$0x10800] =	vst v63  }
0x32: {  	s1 =	rddreg [dreg:$0x1a]  }
0x33: {  	[tilespmem:s1], [sflag:$0x1] =	stream.indirect.gather [hbm4b:s20+s21], $0x20, s16, s21, $0xb8;
	[tilespmem:$0x10800] =	vst v63  }
0x34: {  	s0 =	rddreg [dreg:$0x1b]  }
0x35: {  	[tilespmem:s0], [sflag:$0x1] =	stream.indirect.gather [hbm4b:s20+s21], $0x20, s15, s21, $0xb8;
	[tilespmem:$0x10800] =	vst v63  }
0x36: {  	s1 =	simm.s32 $0x8800  }
0x37: {  	[tilespmem:s1], [sflag:$0x1] =	stream.indirect.gather [hbm4b:s20+s21], $0x20, s14, s21, $0xb8;
	[tilespmem:$0x10800] =	vst v63  }
0x38: {  	_ = 	snop  }
0x39: {  	[tilespmem:s25], [sflag:$0x1] =	stream.indirect.gather [hbm4b:s20+s21], $0x20, s13, s21, $0xb8;
	[tilespmem:$0x10800] =	vst v63  }
0x3a: {  	_ = 	snop  }
0x3b: {  	[tilespmem:s26], [sflag:$0x1] =	stream.indirect.gather [hbm4b:s20+s21], $0x20, s12, s21, $0xb8;
	[tilespmem:$0x10800] =	vst v63  }
0x3c: {  	_ = 	snop  }
0x3d: {  	[tilespmem:s28], [sflag:$0x1] =	stream.indirect.gather [hbm4b:s20+s21], $0x20, s11, s21, $0xb8;
	[tilespmem:$0x10800] =	vst v63  }
0x3e: {  	_ = 	snop  }
0x3f: {  	[tilespmem:s29], [sflag:$0x1] =	stream.indirect.gather [hbm4b:s20+s21], $0x20, s10, s21, $0xb8;
	[tilespmem:$0x10800] =	vst v63  }
0x40: {  	_ = 	snop  }
0x41: {  	[tilespmem:s30], [sflag:$0x1] =	stream.indirect.gather [hbm4b:s20+s21], $0x20, s8, s21, $0xb8;
	[tilespmem:$0x10800] =	vst v63  }
0x42: {  	_ = 	snop  }
0x43: {  	[tilespmem:s31], [sflag:$0x1] =	stream.indirect.gather [hbm4b:s20+s21], $0x20, s9, s21, $0xb8;
	[tilespmem:$0x10800] =	vst v63  }
0x44: {  	_ = 	snop  }
0x45: {  	[tilespmem:s24], [sflag:$0x1] =	stream.indirect.gather [hbm4b:s20+s21], $0x20, s7, s21, $0xb8;
	[tilespmem:$0x10800] =	vst v63  }
0x46: {  	_ = 	snop  }
0x47: {  	[hbm4b:s6+s2] =	stream.linear.scatter [tilespmem:s2], [sflag:$0x2], $0x80, $0x38;
	[tilespmem:$0x10800] =	vst v63  }
0x48: {  	_ =	swait.ge [sflag:s3], $0x80  }
0x49: {  	[sflag:s3] =	ssyncset.done $0x0  }
0x4a: {  	s1 =	rddreg [dreg:$0x5];
	[sflag:s3] =	ssyncadd.s32 $0xFFFFFF80  }
0x4b: {  	[hbm4b:s1+s2] =	stream.linear.scatter [tilespmem:s21], [sflag:$0x2], $0x80, $0x38;
	[tilespmem:$0x10800] =	vst v63  }
0x4c: {  	_ =	swait.ge [sflag:s3], $0x80  }
0x4d: {  	[sflag:s3] =	ssyncset.done $0x0  }
0x4e: {  	s1 =	rddreg [dreg:$0x6];
	[sflag:s3] =	ssyncadd.s32 $0xFFFFFF80  }
0x4f: {  	[hbm4b:s1+s2] =	stream.linear.scatter [tilespmem:s22], [sflag:$0x2], $0x80, $0x38;
	[tilespmem:$0x10800] =	vst v63  }
0x50: {  	_ =	swait.ge [sflag:s3], $0x80  }
0x51: {  	[sflag:s3] =	ssyncset.done $0x0  }
0x52: {  	s1 =	rddreg [dreg:$0x7];
	[sflag:s3] =	ssyncadd.s32 $0xFFFFFF80  }
0x53: {  	[hbm4b:s1+s2] =	stream.linear.scatter [tilespmem:s19], [sflag:$0x2], $0x80, $0x38;
	[tilespmem:$0x10800] =	vst v63  }
0x54: {  	_ =	swait.ge [sflag:s3], $0x80  }
0x55: {  	[sflag:s3] =	ssyncset.done $0x0  }
0x56: {  	s1 =	rddreg [dreg:$0x8];
	[sflag:s3] =	ssyncadd.s32 $0xFFFFFF80  }
0x57: {  	[hbm4b:s1+s2] =	stream.linear.scatter [tilespmem:s18], [sflag:$0x2], $0x80, $0x38;
	[tilespmem:$0x10800] =	vst v63  }
0x58: {  	_ =	swait.ge [sflag:s3], $0x80  }
0x59: {  	[sflag:s3] =	ssyncset.done $0x0  }
0x5a: {  	s1 =	rddreg [dreg:$0x9];
	[sflag:s3] =	ssyncadd.s32 $0xFFFFFF80  }
0x5b: {  	[hbm4b:s1+s2] =	stream.linear.scatter [tilespmem:s17], [sflag:$0x2], $0x80, $0x38;
	[tilespmem:$0x10800] =	vst v63  }
0x5c: {  	_ =	swait.ge [sflag:s3], $0x80  }
0x5d: {  	[sflag:s3] =	ssyncset.done $0x0  }
0x5e: {  	s1 =	rddreg [dreg:$0xa];
	[sflag:s3] =	ssyncadd.s32 $0xFFFFFF80  }
0x5f: {  	[hbm4b:s1+s2] =	stream.linear.scatter [tilespmem:s16], [sflag:$0x2], $0x80, $0x38;
	[tilespmem:$0x10800] =	vst v63  }
0x60: {  	_ =	swait.ge [sflag:s3], $0x80  }
0x61: {  	[sflag:s3] =	ssyncset.done $0x0  }
0x62: {  	s1 =	rddreg [dreg:$0xb];
	[sflag:s3] =	ssyncadd.s32 $0xFFFFFF80  }
0x63: {  	[hbm4b:s1+s2] =	stream.linear.scatter [tilespmem:s15], [sflag:$0x2], $0x80, $0x38;
	[tilespmem:$0x10800] =	vst v63  }
0x64: {  	_ =	swait.ge [sflag:s3], $0x80  }
0x65: {  	[sflag:s3] =	ssyncset.done $0x0  }
0x66: {  	s1 =	rddreg [dreg:$0xc];
	[sflag:s3] =	ssyncadd.s32 $0xFFFFFF80  }
0x67: {  	[hbm4b:s1+s2] =	stream.linear.scatter [tilespmem:s14], [sflag:$0x2], $0x80, $0x38;
	[tilespmem:$0x10800] =	vst v63  }
0x68: {  	_ =	swait.ge [sflag:s3], $0x80  }
0x69: {  	[sflag:s3] =	ssyncset.done $0x0  }
0x6a: {  	s1 =	rddreg [dreg:$0xd];
	[sflag:s3] =	ssyncadd.s32 $0xFFFFFF80  }
0x6b: {  	[hbm4b:s1+s2] =	stream.linear.scatter [tilespmem:s13], [sflag:$0x2], $0x80, $0x38;
	[tilespmem:$0x10800] =	vst v63  }
0x6c: {  	_ =	swait.ge [sflag:s3], $0x80  }
0x6d: {  	[sflag:s3] =	ssyncset.done $0x0  }
0x6e: {  	s1 =	rddreg [dreg:$0xe];
	[sflag:s3] =	ssyncadd.s32 $0xFFFFFF80  }
0x6f: {  	[hbm4b:s1+s2] =	stream.linear.scatter [tilespmem:s12], [sflag:$0x2], $0x80, $0x38;
	[tilespmem:$0x10800] =	vst v63  }
0x70: {  	_ =	swait.ge [sflag:s3], $0x80  }
0x71: {  	[sflag:s3] =	ssyncset.done $0x0  }
0x72: {  	s1 =	rddreg [dreg:$0xf];
	[sflag:s3] =	ssyncadd.s32 $0xFFFFFF80  }
0x73: {  	[hbm4b:s1+s2] =	stream.linear.scatter [tilespmem:s11], [sflag:$0x2], $0x80, $0x38;
	[tilespmem:$0x10800] =	vst v63  }
0x74: {  	_ =	swait.ge [sflag:s3], $0x80  }
0x75: {  	[sflag:s3] =	ssyncset.done $0x0  }
0x76: {  	s1 =	rddreg [dreg:$0x10];
	[sflag:s3] =	ssyncadd.s32 $0xFFFFFF80  }
0x77: {  	[hbm4b:s1+s2] =	stream.linear.scatter [tilespmem:s10], [sflag:$0x2], $0x80, $0x38;
	[tilespmem:$0x10800] =	vst v63  }
0x78: {  	_ =	swait.ge [sflag:s3], $0x80  }
0x79: {  	[sflag:s3] =	ssyncset.done $0x0  }
0x7a: {  	s1 =	rddreg [dreg:$0x11];
	[sflag:s3] =	ssyncadd.s32 $0xFFFFFF80  }
0x7b: {  	[hbm4b:s1+s2] =	stream.linear.scatter [tilespmem:s8], [sflag:$0x2], $0x80, $0x38;
	[tilespmem:$0x10800] =	vst v63  }
0x7c: {  	_ =	swait.ge [sflag:s3], $0x80  }
0x7d: {  	[sflag:s3] =	ssyncset.done $0x0  }
0x7e: {  	s1 =	rddreg [dreg:$0x12];
	[sflag:s3] =	ssyncadd.s32 $0xFFFFFF80  }
0x7f: {  	[hbm4b:s1+s2] =	stream.linear.scatter [tilespmem:s9], [sflag:$0x2], $0x80, $0x38;
	[tilespmem:$0x10800] =	vst v63  }
0x80: {  	_ =	swait.ge [sflag:s3], $0x80  }
0x81: {  	[sflag:s3] =	ssyncset.done $0x0  }
0x82: {  	s1 =	rddreg [dreg:$0x13];
	[sflag:s3] =	ssyncadd.s32 $0xFFFFFF80  }
0x83: {  	[hbm4b:s1+s2] =	stream.linear.scatter [tilespmem:s7], [sflag:$0x2], $0x80, $0x38;
	[tilespmem:$0x10800] =	vst v63  }
0x84: {  	_ =	swait.ge [sflag:s3], $0x80  }
0x85: {  	[sflag:s3] =	ssyncset.done $0x0  }
0x86: {  	[sflag:s3] =	ssyncadd.s32 $0xFFFFFF80  }
0x87: {  	_ =	swait.ge [sflag:s5], $0x1000  }
0x88: {  	[sflag:s5] =	ssyncset.done $0x0  }
0x89: {  	[sflag:s5] =	ssyncadd.s32 $0xFFFFF000  }
0x8a: {  	_ =	swait.ge [sflag:s5], $0x1000  }
0x8b: {  	[sflag:s5] =	ssyncset.done $0x0  }
0x8c: {  	[sflag:s5] =	ssyncadd.s32 $0xFFFFF000  }
0x8d: {  	_ =	swait.ge [sflag:s5], $0x1000  }
0x8e: {  	[sflag:s5] =	ssyncset.done $0x0  }
0x8f: {  	[sflag:s5] =	ssyncadd.s32 $0xFFFFF000  }
0x90: {  	_ =	swait.ge [sflag:s5], $0x1000  }
0x91: {  	[sflag:s5] =	ssyncset.done $0x0  }
0x92: {  	[sflag:s5] =	ssyncadd.s32 $0xFFFFF000  }
0x93: {  	_ =	swait.ge [sflag:s5], $0x1000  }
0x94: {  	[sflag:s5] =	ssyncset.done $0x0  }
0x95: {  	[sflag:s5] =	ssyncadd.s32 $0xFFFFF000  }
0x96: {  	_ =	swait.ge [sflag:s5], $0x1000  }
0x97: {  	[sflag:s5] =	ssyncset.done $0x0  }
0x98: {  	[sflag:s5] =	ssyncadd.s32 $0xFFFFF000  }
0x99: {  	_ =	swait.ge [sflag:s5], $0x1000  }
0x9a: {  	[sflag:s5] =	ssyncset.done $0x0  }
0x9b: {  	[sflag:s5] =	ssyncadd.s32 $0xFFFFF000  }
0x9c: {  	_ =	swait.ge [sflag:s5], $0x1000  }
0x9d: {  	[sflag:s5] =	ssyncset.done $0x0  }
0x9e: {  	[sflag:s5] =	ssyncadd.s32 $0xFFFFF000  }
0x9f: {  	_ =	swait.ge [sflag:s5], $0x1000  }
0xa0: {  	[sflag:s5] =	ssyncset.done $0x0  }
0xa1: {  	[sflag:s5] =	ssyncadd.s32 $0xFFFFF000  }
0xa2: {  	_ =	swait.ge [sflag:s5], $0x1000  }
0xa3: {  	[sflag:s5] =	ssyncset.done $0x0  }
0xa4: {  	[sflag:s5] =	ssyncadd.s32 $0xFFFFF000  }
0xa5: {  	_ =	swait.ge [sflag:s5], $0x1000  }
0xa6: {  	[sflag:s5] =	ssyncset.done $0x0  }
0xa7: {  	[sflag:s5] =	ssyncadd.s32 $0xFFFFF000  }
0xa8: {  	_ =	swait.ge [sflag:s5], $0x1000  }
0xa9: {  	[sflag:s5] =	ssyncset.done $0x0  }
0xaa: {  	[sflag:s5] =	ssyncadd.s32 $0xFFFFF000  }
0xab: {  	_ =	swait.ge [sflag:s5], $0x1000  }
0xac: {  	[sflag:s5] =	ssyncset.done $0x0  }
0xad: {  	[sflag:s5] =	ssyncadd.s32 $0xFFFFF000  }
0xae: {  	_ =	swait.ge [sflag:s5], $0x1000  }
0xaf: {  	[sflag:s5] =	ssyncset.done $0x0  }
0xb0: {  	[sflag:s5] =	ssyncadd.s32 $0xFFFFF000  }
0xb1: {  	_ =	swait.ge [sflag:s5], $0x1000  }
0xb2: {  	[sflag:s5] =	ssyncset.done $0x0  }
0xb3: {  	[sflag:s5] =	ssyncadd.s32 $0xFFFFF000  }
0xb4: {  	p1 =	sne.s32 s23, $0x1;
	_ =	swait.ge [sflag:s5], $0x1000  }
.Ltmp1:
0xb5: {  	[sflag:s5] =	ssyncset.done $0x0;
	(pc) =	sbr.rel @!p1 .LBB2_3-.Ltmp1, $4  }
0xb6: {  	s1 =	rddreg [dreg:$0x14];
	[sflag:s5] =	ssyncadd.s32 $0xFFFFF000  }
0xb7: {  	[hbm4b:s1+s2] =	stream.linear.scatter [tilespmem:s4], [sflag:$0x2], $0x10000, $0x38;
	[tilespmem:$0x10800] =	vst v63  }
0xb8: {  	p0 =	por $0x1, $0x1;
	_ =	swait.ge [sflag:s3], $0x10000  }
0xb9: {  	s1 =	sadd.s32 $0xFFFFFFFF, s23;
	s0 =	rddreg [dreg:$0x4];
	[sflag:s3] =	ssyncset.done $0x0  }
.LBB2_4:
0xba: {  	[sflag:s3] =	ssyncadd.s32 $0xFFFF0000  }
0xbb: {  	[tilespmem:s2], [sflag:$0x2] =	stream.linear.gather [hbm4b:s0+s2], $0x800, $0x38;
	[tilespmem:$0x10800] =	vst v63  }
0xbc: {  	_ =	swait.ge [sflag:s3], $0x800  }
0xbd: {  	[sflag:s3] =	ssyncset.done $0x0  }
0xbe: {  	[sflag:s3] =	ssyncadd.s32 $0xFFFFF800  }
0xbf: {  	[tilespmem:s4], [sflag:$0x1] =	stream.indirect.gather [hbm4b:s20+s21], $0x20, s2, s21, $0xb8;
	[tilespmem:$0x10800] =	vst v63  }
0xc0: {  	s0 =	rddreg [dreg:$0x15]  }
0xc1: {  	[tilespmem:s0], [sflag:$0x1] =	stream.indirect.gather [hbm4b:s20+s21], $0x20, s21, s21, $0xb8;
	[tilespmem:$0x10800] =	vst v63  }
0xc2: {  	s23 =	rddreg [dreg:$0x16]  }
0xc3: {  	[tilespmem:s23], [sflag:$0x1] =	stream.indirect.gather [hbm4b:s20+s21], $0x20, s22, s21, $0xb8;
	[tilespmem:$0x10800] =	vst v63  }
0xc4: {  	s0 =	rddreg [dreg:$0x17]  }
0xc5: {  	[tilespmem:s0], [sflag:$0x1] =	stream.indirect.gather [hbm4b:s20+s21], $0x20, s19, s21, $0xb8;
	[tilespmem:$0x10800] =	vst v63  }
0xc6: {  	s23 =	rddreg [dreg:$0x18]  }
0xc7: {  	[tilespmem:s23], [sflag:$0x1] =	stream.indirect.gather [hbm4b:s20+s21], $0x20, s18, s21, $0xb8;
	[tilespmem:$0x10800] =	vst v63  }
0xc8: {  	s0 =	rddreg [dreg:$0x19]  }
0xc9: {  	[tilespmem:s0], [sflag:$0x1] =	stream.indirect.gather [hbm4b:s20+s21], $0x20, s17, s21, $0xb8;
	[tilespmem:$0x10800] =	vst v63  }
0xca: {  	s23 =	rddreg [dreg:$0x1a]  }
0xcb: {  	[tilespmem:s23], [sflag:$0x1] =	stream.indirect.gather [hbm4b:s20+s21], $0x20, s16, s21, $0xb8;
	[tilespmem:$0x10800] =	vst v63  }
0xcc: {  	s0 =	rddreg [dreg:$0x1b]  }
0xcd: {  	[tilespmem:s0], [sflag:$0x1] =	stream.indirect.gather [hbm4b:s20+s21], $0x20, s15, s21, $0xb8;
	[tilespmem:$0x10800] =	vst v63  }
0xce: {  	s23 =	simm.s32 $0x8800  }
0xcf: {  	[tilespmem:s23], [sflag:$0x1] =	stream.indirect.gather [hbm4b:s20+s21], $0x20, s14, s21, $0xb8;
	[tilespmem:$0x10800] =	vst v63  }
0xd0: {  	_ = 	snop  }
0xd1: {  	[tilespmem:s25], [sflag:$0x1] =	stream.indirect.gather [hbm4b:s20+s21], $0x20, s13, s21, $0xb8;
	[tilespmem:$0x10800] =	vst v63  }
0xd2: {  	_ = 	snop  }
0xd3: {  	[tilespmem:s26], [sflag:$0x1] =	stream.indirect.gather [hbm4b:s20+s21], $0x20, s12, s21, $0xb8;
	[tilespmem:$0x10800] =	vst v63  }
0xd4: {  	_ = 	snop  }
0xd5: {  	[tilespmem:s28], [sflag:$0x1] =	stream.indirect.gather [hbm4b:s20+s21], $0x20, s11, s21, $0xb8;
	[tilespmem:$0x10800] =	vst v63  }
0xd6: {  	_ = 	snop  }
0xd7: {  	[tilespmem:s29], [sflag:$0x1] =	stream.indirect.gather [hbm4b:s20+s21], $0x20, s10, s21, $0xb8;
	[tilespmem:$0x10800] =	vst v63  }
0xd8: {  	_ = 	snop  }
0xd9: {  	[tilespmem:s30], [sflag:$0x1] =	stream.indirect.gather [hbm4b:s20+s21], $0x20, s8, s21, $0xb8;
	[tilespmem:$0x10800] =	vst v63  }
0xda: {  	_ = 	snop  }
0xdb: {  	[tilespmem:s31], [sflag:$0x1] =	stream.indirect.gather [hbm4b:s20+s21], $0x20, s9, s21, $0xb8;
	[tilespmem:$0x10800] =	vst v63  }
0xdc: {  	_ = 	snop  }
0xdd: {  	[tilespmem:s24], [sflag:$0x1] =	stream.indirect.gather [hbm4b:s20+s21], $0x20, s7, s21, $0xb8;
	[tilespmem:$0x10800] =	vst v63  }
0xde: {  	_ = 	snop  }
0xdf: {  	[hbm4b:s6+s2] =	stream.linear.scatter [tilespmem:s2], [sflag:$0x2], $0x80, $0x38;
	[tilespmem:$0x10800] =	vst v63  }
0xe0: {  	_ =	swait.ge [sflag:s3], $0x80  }
0xe1: {  	[sflag:s3] =	ssyncset.done $0x0  }
0xe2: {  	s23 =	rddreg [dreg:$0x5];
	[sflag:s3] =	ssyncadd.s32 $0xFFFFFF80  }
0xe3: {  	[hbm4b:s23+s2] =	stream.linear.scatter [tilespmem:s21], [sflag:$0x2], $0x80, $0x38;
	[tilespmem:$0x10800] =	vst v63  }
0xe4: {  	_ =	swait.ge [sflag:s3], $0x80  }
0xe5: {  	[sflag:s3] =	ssyncset.done $0x0  }
0xe6: {  	s23 =	rddreg [dreg:$0x6];
	[sflag:s3] =	ssyncadd.s32 $0xFFFFFF80  }
0xe7: {  	[hbm4b:s23+s2] =	stream.linear.scatter [tilespmem:s22], [sflag:$0x2], $0x80, $0x38;
	[tilespmem:$0x10800] =	vst v63  }
0xe8: {  	_ =	swait.ge [sflag:s3], $0x80  }
0xe9: {  	[sflag:s3] =	ssyncset.done $0x0  }
0xea: {  	s23 =	rddreg [dreg:$0x7];
	[sflag:s3] =	ssyncadd.s32 $0xFFFFFF80  }
0xeb: {  	[hbm4b:s23+s2] =	stream.linear.scatter [tilespmem:s19], [sflag:$0x2], $0x80, $0x38;
	[tilespmem:$0x10800] =	vst v63  }
0xec: {  	_ =	swait.ge [sflag:s3], $0x80  }
0xed: {  	[sflag:s3] =	ssyncset.done $0x0  }
0xee: {  	s23 =	rddreg [dreg:$0x8];
	[sflag:s3] =	ssyncadd.s32 $0xFFFFFF80  }
0xef: {  	[hbm4b:s23+s2] =	stream.linear.scatter [tilespmem:s18], [sflag:$0x2], $0x80, $0x38;
	[tilespmem:$0x10800] =	vst v63  }
0xf0: {  	_ =	swait.ge [sflag:s3], $0x80  }
0xf1: {  	[sflag:s3] =	ssyncset.done $0x0  }
0xf2: {  	s23 =	rddreg [dreg:$0x9];
	[sflag:s3] =	ssyncadd.s32 $0xFFFFFF80  }
0xf3: {  	[hbm4b:s23+s2] =	stream.linear.scatter [tilespmem:s17], [sflag:$0x2], $0x80, $0x38;
	[tilespmem:$0x10800] =	vst v63  }
0xf4: {  	_ =	swait.ge [sflag:s3], $0x80  }
0xf5: {  	[sflag:s3] =	ssyncset.done $0x0  }
0xf6: {  	s23 =	rddreg [dreg:$0xa];
	[sflag:s3] =	ssyncadd.s32 $0xFFFFFF80  }
0xf7: {  	[hbm4b:s23+s2] =	stream.linear.scatter [tilespmem:s16], [sflag:$0x2], $0x80, $0x38;
	[tilespmem:$0x10800] =	vst v63  }
0xf8: {  	_ =	swait.ge [sflag:s3], $0x80  }
0xf9: {  	[sflag:s3] =	ssyncset.done $0x0  }
0xfa: {  	s23 =	rddreg [dreg:$0xb];
	[sflag:s3] =	ssyncadd.s32 $0xFFFFFF80  }
0xfb: {  	[hbm4b:s23+s2] =	stream.linear.scatter [tilespmem:s15], [sflag:$0x2], $0x80, $0x38;
	[tilespmem:$0x10800] =	vst v63  }
0xfc: {  	_ =	swait.ge [sflag:s3], $0x80  }
0xfd: {  	[sflag:s3] =	ssyncset.done $0x0  }
0xfe: {  	s23 =	rddreg [dreg:$0xc];
	[sflag:s3] =	ssyncadd.s32 $0xFFFFFF80  }
0xff: {  	[hbm4b:s23+s2] =	stream.linear.scatter [tilespmem:s14], [sflag:$0x2], $0x80, $0x38;
	[tilespmem:$0x10800] =	vst v63  }
0x100: {  	_ =	swait.ge [sflag:s3], $0x80  }
0x101: {  	[sflag:s3] =	ssyncset.done $0x0  }
0x102: {  	s23 =	rddreg [dreg:$0xd];
	[sflag:s3] =	ssyncadd.s32 $0xFFFFFF80  }
0x103: {  	[hbm4b:s23+s2] =	stream.linear.scatter [tilespmem:s13], [sflag:$0x2], $0x80, $0x38;
	[tilespmem:$0x10800] =	vst v63  }
0x104: {  	_ =	swait.ge [sflag:s3], $0x80  }
0x105: {  	[sflag:s3] =	ssyncset.done $0x0  }
0x106: {  	s23 =	rddreg [dreg:$0xe];
	[sflag:s3] =	ssyncadd.s32 $0xFFFFFF80  }
0x107: {  	[hbm4b:s23+s2] =	stream.linear.scatter [tilespmem:s12], [sflag:$0x2], $0x80, $0x38;
	[tilespmem:$0x10800] =	vst v63  }
0x108: {  	_ =	swait.ge [sflag:s3], $0x80  }
0x109: {  	[sflag:s3] =	ssyncset.done $0x0  }
0x10a: {  	s23 =	rddreg [dreg:$0xf];
	[sflag:s3] =	ssyncadd.s32 $0xFFFFFF80  }
0x10b: {  	[hbm4b:s23+s2] =	stream.linear.scatter [tilespmem:s11], [sflag:$0x2], $0x80, $0x38;
	[tilespmem:$0x10800] =	vst v63  }
0x10c: {  	_ =	swait.ge [sflag:s3], $0x80  }
0x10d: {  	[sflag:s3] =	ssyncset.done $0x0  }
0x10e: {  	s23 =	rddreg [dreg:$0x10];
	[sflag:s3] =	ssyncadd.s32 $0xFFFFFF80  }
0x10f: {  	[hbm4b:s23+s2] =	stream.linear.scatter [tilespmem:s10], [sflag:$0x2], $0x80, $0x38;
	[tilespmem:$0x10800] =	vst v63  }
0x110: {  	_ =	swait.ge [sflag:s3], $0x80  }
0x111: {  	[sflag:s3] =	ssyncset.done $0x0  }
0x112: {  	s23 =	rddreg [dreg:$0x11];
	[sflag:s3] =	ssyncadd.s32 $0xFFFFFF80  }
0x113: {  	[hbm4b:s23+s2] =	stream.linear.scatter [tilespmem:s8], [sflag:$0x2], $0x80, $0x38;
	[tilespmem:$0x10800] =	vst v63  }
0x114: {  	_ =	swait.ge [sflag:s3], $0x80  }
0x115: {  	[sflag:s3] =	ssyncset.done $0x0  }
0x116: {  	s23 =	rddreg [dreg:$0x12];
	[sflag:s3] =	ssyncadd.s32 $0xFFFFFF80  }
0x117: {  	[hbm4b:s23+s2] =	stream.linear.scatter [tilespmem:s9], [sflag:$0x2], $0x80, $0x38;
	[tilespmem:$0x10800] =	vst v63  }
0x118: {  	_ =	swait.ge [sflag:s3], $0x80  }
0x119: {  	[sflag:s3] =	ssyncset.done $0x0  }
0x11a: {  	s23 =	rddreg [dreg:$0x13];
	[sflag:s3] =	ssyncadd.s32 $0xFFFFFF80  }
0x11b: {  	[hbm4b:s23+s2] =	stream.linear.scatter [tilespmem:s7], [sflag:$0x2], $0x80, $0x38;
	[tilespmem:$0x10800] =	vst v63  }
0x11c: {  	_ =	swait.ge [sflag:s3], $0x80  }
0x11d: {  	[sflag:s3] =	ssyncset.done $0x0  }
0x11e: {  	[sflag:s3] =	ssyncadd.s32 $0xFFFFFF80  }
0x11f: {  	_ =	swait.ge [sflag:s5], $0x1000  }
0x120: {  	[sflag:s5] =	ssyncset.done $0x0  }
0x121: {  	[sflag:s5] =	ssyncadd.s32 $0xFFFFF000  }
0x122: {  	_ =	swait.ge [sflag:s5], $0x1000  }
0x123: {  	[sflag:s5] =	ssyncset.done $0x0  }
0x124: {  	[sflag:s5] =	ssyncadd.s32 $0xFFFFF000  }
0x125: {  	_ =	swait.ge [sflag:s5], $0x1000  }
0x126: {  	[sflag:s5] =	ssyncset.done $0x0  }
0x127: {  	[sflag:s5] =	ssyncadd.s32 $0xFFFFF000  }
0x128: {  	_ =	swait.ge [sflag:s5], $0x1000  }
0x129: {  	[sflag:s5] =	ssyncset.done $0x0  }
0x12a: {  	[sflag:s5] =	ssyncadd.s32 $0xFFFFF000  }
0x12b: {  	_ =	swait.ge [sflag:s5], $0x1000  }
0x12c: {  	[sflag:s5] =	ssyncset.done $0x0  }
0x12d: {  	[sflag:s5] =	ssyncadd.s32 $0xFFFFF000  }
0x12e: {  	_ =	swait.ge [sflag:s5], $0x1000  }
0x12f: {  	[sflag:s5] =	ssyncset.done $0x0  }
0x130: {  	[sflag:s5] =	ssyncadd.s32 $0xFFFFF000  }
0x131: {  	_ =	swait.ge [sflag:s5], $0x1000  }
0x132: {  	[sflag:s5] =	ssyncset.done $0x0  }
0x133: {  	[sflag:s5] =	ssyncadd.s32 $0xFFFFF000  }
0x134: {  	_ =	swait.ge [sflag:s5], $0x1000  }
0x135: {  	[sflag:s5] =	ssyncset.done $0x0  }
0x136: {  	[sflag:s5] =	ssyncadd.s32 $0xFFFFF000  }
0x137: {  	_ =	swait.ge [sflag:s5], $0x1000  }
0x138: {  	[sflag:s5] =	ssyncset.done $0x0  }
0x139: {  	[sflag:s5] =	ssyncadd.s32 $0xFFFFF000  }
0x13a: {  	_ =	swait.ge [sflag:s5], $0x1000  }
0x13b: {  	[sflag:s5] =	ssyncset.done $0x0  }
0x13c: {  	[sflag:s5] =	ssyncadd.s32 $0xFFFFF000  }
0x13d: {  	_ =	swait.ge [sflag:s5], $0x1000  }
0x13e: {  	[sflag:s5] =	ssyncset.done $0x0  }
0x13f: {  	[sflag:s5] =	ssyncadd.s32 $0xFFFFF000  }
0x140: {  	_ =	swait.ge [sflag:s5], $0x1000  }
0x141: {  	[sflag:s5] =	ssyncset.done $0x0  }
0x142: {  	[sflag:s5] =	ssyncadd.s32 $0xFFFFF000  }
0x143: {  	_ =	swait.ge [sflag:s5], $0x1000  }
0x144: {  	[sflag:s5] =	ssyncset.done $0x0  }
0x145: {  	[sflag:s5] =	ssyncadd.s32 $0xFFFFF000  }
0x146: {  	_ =	swait.ge [sflag:s5], $0x1000  }
0x147: {  	[sflag:s5] =	ssyncset.done $0x0  }
0x148: {  	[sflag:s5] =	ssyncadd.s32 $0xFFFFF000  }
0x149: {  	_ =	swait.ge [sflag:s5], $0x1000  }
0x14a: {  	[sflag:s5] =	ssyncset.done $0x0  }
0x14b: {  	[sflag:s5] =	ssyncadd.s32 $0xFFFFF000  }
0x14c: {  	p1 =	sne.s32 s1, $0x1;
	_ =	swait.ge [sflag:s5], $0x1000  }
.Ltmp2:
0x14d: {  	[sflag:s5] =	ssyncset.done $0x0;
	(pc) =	sbr.rel @p1 .LBB2_4-.Ltmp2, $4  }
0x14e: {  	s23 =	rddreg [dreg:$0x14];
	[sflag:s5] =	ssyncadd.s32 $0xFFFFF000  }
0x14f: {  	[hbm4b:s23+s2] =	stream.linear.scatter [tilespmem:s4], [sflag:$0x2], $0x10000, $0x38;
	[tilespmem:$0x10800] =	vst v63  }
0x150: {  	_ =	swait.ge [sflag:s3], $0x10000  }
0x151: {  	s1 =	sadd.s32 $0xFFFFFFFF, s1;
	s0 =	rddreg [dreg:$0x4];
	[sflag:s3] =	ssyncset.done $0x0  }
0x152: {  	s23 =	simm.s32 $0xF800;
	s31 =	simm.s32 $0xE800  }
0x153: {  	s30 =	simm.s32 $0xD800;
	s29 =	simm.s32 $0xC800;
	s28 =	simm.s32 $0xB800  }
0x154: {  	s26 =	simm.s32 $0xA800;
	s25 =	simm.s32 $0x9800;
	s24 =	simm.s32 $0x8800  }
.LBB2_6:
0x155: {  	[sflag:s3] =	ssyncadd.s32 @p0 $0xFFFF0000  }
0x156: {  	[tilespmem:s2], [sflag:$0x2] =	stream.linear.gather [hbm4b:s0+s2], $0x800, $0x38;
	[tilespmem:$0x10800] =	vst v63  }
0x157: {  	_ =	swait.ge [sflag:s3], $0x800  }
0x158: {  	[sflag:s3] =	ssyncset.done $0x0  }
0x159: {  	[sflag:s3] =	ssyncadd.s32 $0xFFFFF800  }
0x15a: {  	[tilespmem:s4], [sflag:$0x1] =	stream.indirect.gather [hbm4b:s20+s21], $0x20, s2, s21, $0xb8;
	[tilespmem:$0x10800] =	vst v63  }
0x15b: {  	s0 =	rddreg [dreg:$0x15]  }
0x15c: {  	[tilespmem:s0], [sflag:$0x1] =	stream.indirect.gather [hbm4b:s20+s21], $0x20, s21, s21, $0xb8;
	[tilespmem:$0x10800] =	vst v63  }
0x15d: {  	s1 =	rddreg [dreg:$0x16]  }
0x15e: {  	[tilespmem:s1], [sflag:$0x1] =	stream.indirect.gather [hbm4b:s20+s21], $0x20, s22, s21, $0xb8;
	[tilespmem:$0x10800] =	vst v63  }
0x15f: {  	s0 =	rddreg [dreg:$0x17]  }
0x160: {  	[tilespmem:s0], [sflag:$0x1] =	stream.indirect.gather [hbm4b:s20+s21], $0x20, s19, s21, $0xb8;
	[tilespmem:$0x10800] =	vst v63  }
0x161: {  	s1 =	rddreg [dreg:$0x18]  }
0x162: {  	[tilespmem:s1], [sflag:$0x1] =	stream.indirect.gather [hbm4b:s20+s21], $0x20, s18, s21, $0xb8;
	[tilespmem:$0x10800] =	vst v63  }
0x163: {  	s0 =	rddreg [dreg:$0x19]  }
0x164: {  	[tilespmem:s0], [sflag:$0x1] =	stream.indirect.gather [hbm4b:s20+s21], $0x20, s17, s21, $0xb8;
	[tilespmem:$0x10800] =	vst v63  }
0x165: {  	s1 =	rddreg [dreg:$0x1a]  }
0x166: {  	[tilespmem:s1], [sflag:$0x1] =	stream.indirect.gather [hbm4b:s20+s21], $0x20, s16, s21, $0xb8;
	[tilespmem:$0x10800] =	vst v63  }
0x167: {  	s0 =	rddreg [dreg:$0x1b]  }
0x168: {  	[tilespmem:s0], [sflag:$0x1] =	stream.indirect.gather [hbm4b:s20+s21], $0x20, s15, s21, $0xb8;
	[tilespmem:$0x10800] =	vst v63  }
0x169: {  	_ = 	snop  }
0x16a: {  	[tilespmem:s24], [sflag:$0x1] =	stream.indirect.gather [hbm4b:s20+s21], $0x20, s14, s21, $0xb8;
	[tilespmem:$0x10800] =	vst v63  }
0x16b: {  	_ = 	snop  }
0x16c: {  	[tilespmem:s25], [sflag:$0x1] =	stream.indirect.gather [hbm4b:s20+s21], $0x20, s13, s21, $0xb8;
	[tilespmem:$0x10800] =	vst v63  }
0x16d: {  	_ = 	snop  }
0x16e: {  	[tilespmem:s26], [sflag:$0x1] =	stream.indirect.gather [hbm4b:s20+s21], $0x20, s12, s21, $0xb8;
	[tilespmem:$0x10800] =	vst v63  }
0x16f: {  	_ = 	snop  }
0x170: {  	[tilespmem:s28], [sflag:$0x1] =	stream.indirect.gather [hbm4b:s20+s21], $0x20, s11, s21, $0xb8;
	[tilespmem:$0x10800] =	vst v63  }
0x171: {  	_ = 	snop  }
0x172: {  	[tilespmem:s29], [sflag:$0x1] =	stream.indirect.gather [hbm4b:s20+s21], $0x20, s10, s21, $0xb8;
	[tilespmem:$0x10800] =	vst v63  }
0x173: {  	_ = 	snop  }
0x174: {  	[tilespmem:s30], [sflag:$0x1] =	stream.indirect.gather [hbm4b:s20+s21], $0x20, s8, s21, $0xb8;
	[tilespmem:$0x10800] =	vst v63  }
0x175: {  	_ = 	snop  }
0x176: {  	[tilespmem:s31], [sflag:$0x1] =	stream.indirect.gather [hbm4b:s20+s21], $0x20, s9, s21, $0xb8;
	[tilespmem:$0x10800] =	vst v63  }
0x177: {  	_ = 	snop  }
0x178: {  	[tilespmem:s23], [sflag:$0x1] =	stream.indirect.gather [hbm4b:s20+s21], $0x20, s7, s21, $0xb8;
	[tilespmem:$0x10800] =	vst v63  }
0x179: {  	_ = 	snop  }
0x17a: {  	[hbm4b:s6+s2] =	stream.linear.scatter [tilespmem:s2], [sflag:$0x2], $0x80, $0x38;
	[tilespmem:$0x10800] =	vst v63  }
0x17b: {  	_ =	swait.ge [sflag:s3], $0x80  }
0x17c: {  	[sflag:s3] =	ssyncset.done $0x0  }
0x17d: {  	s30 =	rddreg [dreg:$0x5];
	[sflag:s3] =	ssyncadd.s32 $0xFFFFFF80  }
0x17e: {  	[hbm4b:s30+s2] =	stream.linear.scatter [tilespmem:s21], [sflag:$0x2], $0x80, $0x38;
	[tilespmem:$0x10800] =	vst v63  }
0x17f: {  	_ =	swait.ge [sflag:s3], $0x80  }
0x180: {  	[sflag:s3] =	ssyncset.done $0x0  }
0x181: {  	s31 =	rddreg [dreg:$0x6];
	[sflag:s3] =	ssyncadd.s32 $0xFFFFFF80  }
0x182: {  	[hbm4b:s31+s2] =	stream.linear.scatter [tilespmem:s22], [sflag:$0x2], $0x80, $0x38;
	[tilespmem:$0x10800] =	vst v63  }
0x183: {  	_ =	swait.ge [sflag:s3], $0x80  }
0x184: {  	[sflag:s3] =	ssyncset.done $0x0  }
0x185: {  	s1 =	rddreg [dreg:$0x7];
	[sflag:s3] =	ssyncadd.s32 $0xFFFFFF80  }
0x186: {  	[hbm4b:s1+s2] =	stream.linear.scatter [tilespmem:s19], [sflag:$0x2], $0x80, $0x38;
	[tilespmem:$0x10800] =	vst v63  }
0x187: {  	_ =	swait.ge [sflag:s3], $0x80  }
0x188: {  	[sflag:s3] =	ssyncset.done $0x0  }
0x189: {  	s6 =	rddreg [dreg:$0x8];
	[sflag:s3] =	ssyncadd.s32 $0xFFFFFF80  }
0x18a: {  	[hbm4b:s6+s2] =	stream.linear.scatter [tilespmem:s18], [sflag:$0x2], $0x80, $0x38;
	[tilespmem:$0x10800] =	vst v63  }
0x18b: {  	_ =	swait.ge [sflag:s3], $0x80  }
0x18c: {  	[sflag:s3] =	ssyncset.done $0x0  }
0x18d: {  	s18 =	rddreg [dreg:$0x9];
	[sflag:s3] =	ssyncadd.s32 $0xFFFFFF80  }
0x18e: {  	[hbm4b:s18+s2] =	stream.linear.scatter [tilespmem:s17], [sflag:$0x2], $0x80, $0x38;
	[tilespmem:$0x10800] =	vst v63  }
0x18f: {  	_ =	swait.ge [sflag:s3], $0x80  }
0x190: {  	[sflag:s3] =	ssyncset.done $0x0  }
0x191: {  	s19 =	rddreg [dreg:$0xa];
	[sflag:s3] =	ssyncadd.s32 $0xFFFFFF80  }
0x192: {  	[hbm4b:s19+s2] =	stream.linear.scatter [tilespmem:s16], [sflag:$0x2], $0x80, $0x38;
	[tilespmem:$0x10800] =	vst v63  }
0x193: {  	_ =	swait.ge [sflag:s3], $0x80  }
0x194: {  	[sflag:s3] =	ssyncset.done $0x0  }
0x195: {  	s20 =	rddreg [dreg:$0xb];
	[sflag:s3] =	ssyncadd.s32 $0xFFFFFF80  }
0x196: {  	[hbm4b:s20+s2] =	stream.linear.scatter [tilespmem:s15], [sflag:$0x2], $0x80, $0x38;
	[tilespmem:$0x10800] =	vst v63  }
0x197: {  	_ =	swait.ge [sflag:s3], $0x80  }
0x198: {  	[sflag:s3] =	ssyncset.done $0x0  }
0x199: {  	s21 =	rddreg [dreg:$0xc];
	[sflag:s3] =	ssyncadd.s32 $0xFFFFFF80  }
0x19a: {  	[hbm4b:s21+s2] =	stream.linear.scatter [tilespmem:s14], [sflag:$0x2], $0x80, $0x38;
	[tilespmem:$0x10800] =	vst v63  }
0x19b: {  	_ =	swait.ge [sflag:s3], $0x80  }
0x19c: {  	[sflag:s3] =	ssyncset.done $0x0  }
0x19d: {  	s22 =	rddreg [dreg:$0xd];
	[sflag:s3] =	ssyncadd.s32 $0xFFFFFF80  }
0x19e: {  	[hbm4b:s22+s2] =	stream.linear.scatter [tilespmem:s13], [sflag:$0x2], $0x80, $0x38;
	[tilespmem:$0x10800] =	vst v63  }
0x19f: {  	_ =	swait.ge [sflag:s3], $0x80  }
0x1a0: {  	[sflag:s3] =	ssyncset.done $0x0  }
0x1a1: {  	s23 =	rddreg [dreg:$0xe];
	[sflag:s3] =	ssyncadd.s32 $0xFFFFFF80  }
0x1a2: {  	[hbm4b:s23+s2] =	stream.linear.scatter [tilespmem:s12], [sflag:$0x2], $0x80, $0x38;
	[tilespmem:$0x10800] =	vst v63  }
0x1a3: {  	_ =	swait.ge [sflag:s3], $0x80  }
0x1a4: {  	[sflag:s3] =	ssyncset.done $0x0  }
0x1a5: {  	s24 =	rddreg [dreg:$0xf];
	[sflag:s3] =	ssyncadd.s32 $0xFFFFFF80  }
0x1a6: {  	[hbm4b:s24+s2] =	stream.linear.scatter [tilespmem:s11], [sflag:$0x2], $0x80, $0x38;
	[tilespmem:$0x10800] =	vst v63  }
0x1a7: {  	_ =	swait.ge [sflag:s3], $0x80  }
0x1a8: {  	[sflag:s3] =	ssyncset.done $0x0  }
0x1a9: {  	s25 =	rddreg [dreg:$0x10];
	[sflag:s3] =	ssyncadd.s32 $0xFFFFFF80  }
0x1aa: {  	[hbm4b:s25+s2] =	stream.linear.scatter [tilespmem:s10], [sflag:$0x2], $0x80, $0x38;
	[tilespmem:$0x10800] =	vst v63  }
0x1ab: {  	_ =	swait.ge [sflag:s3], $0x80  }
0x1ac: {  	[sflag:s3] =	ssyncset.done $0x0  }
0x1ad: {  	s26 =	rddreg [dreg:$0x11];
	[sflag:s3] =	ssyncadd.s32 $0xFFFFFF80  }
0x1ae: {  	[hbm4b:s26+s2] =	stream.linear.scatter [tilespmem:s8], [sflag:$0x2], $0x80, $0x38;
	[tilespmem:$0x10800] =	vst v63  }
0x1af: {  	_ =	swait.ge [sflag:s3], $0x80  }
0x1b0: {  	[sflag:s3] =	ssyncset.done $0x0  }
0x1b1: {  	s28 =	rddreg [dreg:$0x12];
	[sflag:s3] =	ssyncadd.s32 $0xFFFFFF80  }
0x1b2: {  	[hbm4b:s28+s2] =	stream.linear.scatter [tilespmem:s9], [sflag:$0x2], $0x80, $0x38;
	[tilespmem:$0x10800] =	vst v63  }
0x1b3: {  	_ =	swait.ge [sflag:s3], $0x80  }
0x1b4: {  	[sflag:s3] =	ssyncset.done $0x0  }
0x1b5: {  	s29 =	rddreg [dreg:$0x13];
	[sflag:s3] =	ssyncadd.s32 $0xFFFFFF80  }
0x1b6: {  	[hbm4b:s29+s2] =	stream.linear.scatter [tilespmem:s7], [sflag:$0x2], $0x80, $0x38;
	[tilespmem:$0x10800] =	vst v63  }
0x1b7: {  	_ =	swait.ge [sflag:s3], $0x80  }
0x1b8: {  	[sflag:s3] =	ssyncset.done $0x0  }
0x1b9: {  	[sflag:s3] =	ssyncadd.s32 $0xFFFFFF80  }
0x1ba: {  	_ =	swait.ge [sflag:s5], $0x1000  }
0x1bb: {  	[sflag:s5] =	ssyncset.done $0x0  }
0x1bc: {  	[sflag:s5] =	ssyncadd.s32 $0xFFFFF000  }
0x1bd: {  	_ =	swait.ge [sflag:s5], $0x1000  }
0x1be: {  	[sflag:s5] =	ssyncset.done $0x0  }
0x1bf: {  	[sflag:s5] =	ssyncadd.s32 $0xFFFFF000  }
0x1c0: {  	_ =	swait.ge [sflag:s5], $0x1000  }
0x1c1: {  	[sflag:s5] =	ssyncset.done $0x0  }
0x1c2: {  	[sflag:s5] =	ssyncadd.s32 $0xFFFFF000  }
0x1c3: {  	_ =	swait.ge [sflag:s5], $0x1000  }
0x1c4: {  	[sflag:s5] =	ssyncset.done $0x0  }
0x1c5: {  	[sflag:s5] =	ssyncadd.s32 $0xFFFFF000  }
0x1c6: {  	_ =	swait.ge [sflag:s5], $0x1000  }
0x1c7: {  	[sflag:s5] =	ssyncset.done $0x0  }
0x1c8: {  	[sflag:s5] =	ssyncadd.s32 $0xFFFFF000  }
0x1c9: {  	_ =	swait.ge [sflag:s5], $0x1000  }
0x1ca: {  	[sflag:s5] =	ssyncset.done $0x0  }
0x1cb: {  	[sflag:s5] =	ssyncadd.s32 $0xFFFFF000  }
0x1cc: {  	_ =	swait.ge [sflag:s5], $0x1000  }
0x1cd: {  	[sflag:s5] =	ssyncset.done $0x0  }
0x1ce: {  	[sflag:s5] =	ssyncadd.s32 $0xFFFFF000  }
0x1cf: {  	_ =	swait.ge [sflag:s5], $0x1000  }
0x1d0: {  	[sflag:s5] =	ssyncset.done $0x0  }
0x1d1: {  	[sflag:s5] =	ssyncadd.s32 $0xFFFFF000  }
0x1d2: {  	_ =	swait.ge [sflag:s5], $0x1000  }
0x1d3: {  	[sflag:s5] =	ssyncset.done $0x0  }
0x1d4: {  	[sflag:s5] =	ssyncadd.s32 $0xFFFFF000  }
0x1d5: {  	_ =	swait.ge [sflag:s5], $0x1000  }
0x1d6: {  	[sflag:s5] =	ssyncset.done $0x0  }
0x1d7: {  	[sflag:s5] =	ssyncadd.s32 $0xFFFFF000  }
0x1d8: {  	_ =	swait.ge [sflag:s5], $0x1000  }
0x1d9: {  	[sflag:s5] =	ssyncset.done $0x0  }
0x1da: {  	[sflag:s5] =	ssyncadd.s32 $0xFFFFF000  }
0x1db: {  	_ =	swait.ge [sflag:s5], $0x1000  }
0x1dc: {  	[sflag:s5] =	ssyncset.done $0x0  }
0x1dd: {  	[sflag:s5] =	ssyncadd.s32 $0xFFFFF000  }
0x1de: {  	_ =	swait.ge [sflag:s5], $0x1000  }
0x1df: {  	[sflag:s5] =	ssyncset.done $0x0  }
0x1e0: {  	[sflag:s5] =	ssyncadd.s32 $0xFFFFF000  }
0x1e1: {  	_ =	swait.ge [sflag:s5], $0x1000  }
0x1e2: {  	[sflag:s5] =	ssyncset.done $0x0  }
0x1e3: {  	[sflag:s5] =	ssyncadd.s32 $0xFFFFF000  }
0x1e4: {  	_ =	swait.ge [sflag:s5], $0x1000  }
0x1e5: {  	[sflag:s5] =	ssyncset.done $0x0  }
0x1e6: {  	[sflag:s5] =	ssyncadd.s32 $0xFFFFF000  }
0x1e7: {  	_ =	swait.ge [sflag:s5], $0x1000  }
0x1e8: {  	[sflag:s5] =	ssyncset.done $0x0  }
0x1e9: {  	s30 =	rddreg [dreg:$0x14];
	[sflag:s5] =	ssyncadd.s32 $0xFFFFF000  }
0x1ea: {  	[hbm4b:s30+s2] =	stream.linear.scatter [tilespmem:s4], [sflag:$0x2], $0x10000, $0x38;
	[tilespmem:$0x10800] =	vst v63  }
0x1eb: {  	_ =	swait.ge [sflag:s3], $0x10000  }
0x1ec: {  	[sflag:s3] =	ssyncset.done $0x0  }
0x1ed: {  	[sflag:s3] =	ssyncadd.s32 $0xFFFF0000  }
0x1ee: {  	_ =	sfence.sel $0x180000  }
0x1ef: {  	[bflag:$0x0] =	sbarrier.arrive $0xFFFF  }
0x1f0: {  	_ =	strace $0x90000047  }
0x1f1: {  	s31 =	stileid.u32;
	[bflag:$0x2] =	sbarrier.arrive $0xFFFF  }
0x1f2: {  	p0 =	sne.s32 s31, $0x0;
	s0 =	rddreg [dreg:$0x3]  }
0x1f3: {  	s0 =	sadd.s32 @!p0 $0x100000, s0  }
0x1f4: {  	[sflag:s0] =	ssyncadd.tile.s32 @!p0 $0x1;
	_ =	shalt  }
.LBB2_1:
.Ltmp3:
0x1f5: {  	(pc) =	sbr.rel .LBB2_6-.Ltmp3, $4  }
0x1f6: {  	_ = 	snop  }
0x1f7: {  	s23 =	simm.s32 $0xF800;
	s31 =	simm.s32 $0xE800  }
0x1f8: {  	s30 =	simm.s32 $0xD800;
	s29 =	simm.s32 $0xC800;
	s28 =	simm.s32 $0xB800  }
0x1f9: {  	s26 =	simm.s32 $0xA800;
	s25 =	simm.s32 $0x9800;
	s24 =	simm.s32 $0x8800  }
.LBB2_3:
.Ltmp4:
0x1fa: {  	(pc) =	sbr.rel .LBB2_6-.Ltmp4, $4  }
0x1fb: {  	_ = 	snop  }
0x1fc: {  	s23 =	simm.s32 $0xF800;
	s31 =	simm.s32 $0xE800  }
0x1fd: {  	s30 =	simm.s32 $0xD800;
	s29 =	simm.s32 $0xC800;
	s28 =	simm.s32 $0xB800  }
0x1fe: {  	s26 =	simm.s32 $0xA800;
	s25 =	simm.s32 $0x9800;
	s24 =	simm.s32 $0x8800  }
.Lfunc_end2:
_tile_overlayer_lowered:
.L_overlay_start_2:
0x1ff: {  	(tag) =	ssettag $0x2  }
0x200: {  	s0 =	rddreg [dreg:$0x0];
	s2 =	stileid.u32  }
0x201: {  	s1 =	rddreg [dreg:$0x1];
	p0 =	sne.s32 s2, $0x0  }
0x202: {  	s3 =	rddreg [dreg:$0x2];
	[bflag:$0x3] =	sbarrier.arrive $0xFFFF;
	s2 =	simm.s32 @!p0 $0x1C02  }
0x203: {  	[timem:s3], [sflag:s2] =	dma.local @!p0 [hbm:s0], s1  }
0x204: {  	s0 =	simm.s32 @!p0 $0x2  }
0x205: {  	_ =	swait.ge @!p0 [sflag:s0], s1  }
0x206: {  	s1 =	ssub.s32 @!p0 $0x0, s1;
	[sflag:s0] =	ssyncset.done @!p0 $0x0  }
0x207: {  	[sflag:s0] =	ssyncadd.s32 @!p0 s1  }
0x208: {  	[bflag:$0x3] =	sbarrier.arrive $0xFFFF  }
0x209: {  	_ =	shalt  }

</sc_bundles>
